<compile_context>
chip_gen: v7x
topology: tpu7x:2x2x1
jax: 0.10.2.dev20260603
libtpu: 0.0.44.dev20260713+nightly
codegen_flags: <defaults>
</compile_context>

<pallas_src>
import functools

import jax
import jax.numpy as jnp
from jax import lax
from jax.experimental import pallas as pl
from jax.experimental.pallas import tpu as pltpu
from jax.experimental.pallas import tpu_sc as plsc

NUM_ROWS = 1000000
HID = 32
B = 16384

EB = 8192
G = (NUM_ROWS + EB - 1) // EB
NPAD = G * EB

NC = 2
NS = 16
NW = NC * NS
BPW = B // NW
IDX_L = 128
IDX_J = BPW // IDX_L


QB = EB // 4


def _detile_body(u_ref, i_ref, uo_ref, io_ref):
    eye = jnp.eye(HID, dtype=jnp.float32)

    def pack(ref):
        xt = jax.lax.dot_general(ref[...], eye, (((0,), (0,)), ((), ())),
                                 preferred_element_type=jnp.float32)
        return jnp.concatenate(
            [xt[c * QB:(c + 1) * QB, :] for c in range(4)], axis=1)

    uo_ref[...] = pack(u_ref)
    io_ref[...] = pack(i_ref)


_detile = pl.pallas_call(
    _detile_body,
    grid=(G,),
    in_specs=[
        pl.BlockSpec((HID, EB), lambda g: (0, g)),
        pl.BlockSpec((HID, EB), lambda g: (0, g)),
    ],
    out_specs=[
        pl.BlockSpec((QB, 128), lambda g: (g, 0)),
        pl.BlockSpec((QB, 128), lambda g: (g, 0)),
    ],
    out_shape=[
        jax.ShapeDtypeStruct((G * QB, 128), jnp.float32),
        jax.ShapeDtypeStruct((G * QB, 128), jnp.float32),
    ],
)

_mesh = plsc.VectorSubcoreMesh(core_axis_name="c", subcore_axis_name="s")


@functools.partial(
    pl.kernel,
    mesh=_mesh,
    out_type=[
        jax.ShapeDtypeStruct((NW, IDX_J, IDX_L, 128), jnp.float32),
        jax.ShapeDtypeStruct((NW, IDX_J, IDX_L, 128), jnp.float32),
    ],
    scratch_types=[
        pltpu.VMEM((IDX_J, IDX_L), jnp.int32),
        pltpu.VMEM((IDX_J, IDX_L), jnp.int32),
        pltpu.VMEM((IDX_L, 128), jnp.float32),
        pltpu.VMEM((IDX_L, 128), jnp.float32),
        pltpu.SemaphoreType.DMA,
    ],
)
def _sc_gather(uw_hbm, iw_hbm, uidx_hbm, iidx_hbm, ue_out, ie_out,
               uidx_v, iidx_v, ub, ib, sem):
    wid = lax.axis_index("s") * NC + lax.axis_index("c")
    pltpu.sync_copy(uidx_hbm.at[wid], uidx_v)
    pltpu.sync_copy(iidx_hbm.at[wid], iidx_v)
    for j in range(IDX_J):
        cu = pltpu.async_copy(uw_hbm.at[uidx_v.at[j]], ub, sem)
        ci = pltpu.async_copy(iw_hbm.at[iidx_v.at[j]], ib, sem)
        cu.wait()
        ci.wait()
        pltpu.sync_copy(ub, ue_out.at[wid, j])
        pltpu.sync_copy(ib, ie_out.at[wid, j])


BLK = 2048
GSTEPS = B // BLK


def _finish_body(ue4_ref, ie4_ref, usel_ref, isel_ref, r_ref, w_ref, b_ref,
                 t_ref, loss_ref):
    g = pl.program_id(0)
    usel = usel_ref[...]
    isel = isel_ref[...]
    ue = jnp.zeros((BLK, HID), jnp.float32)
    ie = jnp.zeros((BLK, HID), jnp.float32)
    for q in range(4):
        sl = pl.ds(q * HID, HID)
        ue = ue + jnp.where(usel == q, ue4_ref[:, sl], 0.0)
        ie = ie + jnp.where(isel == q, ie4_ref[:, sl], 0.0)
    pred = ue * ie
    t = jnp.sum(pred * w_ref[...], axis=1, keepdims=True) + b_ref[0, 0]
    t_ref[...] = t
    dlt = t - r_ref[...]
    part = (jnp.sum(dlt * dlt) * (1.0 / B)).reshape(1, 1)

    @pl.when(g == 0)
    def _init():
        loss_ref[...] = part

    @pl.when(g != 0)
    def _acc():
        loss_ref[...] = loss_ref[...] + part


_finish = pl.pallas_call(
    _finish_body,
    grid=(GSTEPS,),
    in_specs=[
        pl.BlockSpec((BLK, 128), lambda g: (g, 0)),
        pl.BlockSpec((BLK, 128), lambda g: (g, 0)),
        pl.BlockSpec((BLK, 1), lambda g: (g, 0)),
        pl.BlockSpec((BLK, 1), lambda g: (g, 0)),
        pl.BlockSpec((BLK, 1), lambda g: (g, 0)),
        pl.BlockSpec((1, HID), lambda g: (0, 0)),
        pl.BlockSpec((1, 1), lambda g: (0, 0)),
    ],
    out_specs=[
        pl.BlockSpec((BLK, 1), lambda g: (g, 0)),
        pl.BlockSpec((1, 1), lambda g: (0, 0)),
    ],
    out_shape=[
        jax.ShapeDtypeStruct((B, 1), jnp.float32),
        jax.ShapeDtypeStruct((1, 1), jnp.float32),
    ],
)


def kernel(user, item, rating, user_weight, item_weight, user_bias,
           item_bias, W_affine, b_affine):
    del user_bias, item_bias
    user = user.astype(jnp.int32)
    item = item.astype(jnp.int32)
    up = ((user >> 13) << 11) + (user & 2047)
    ip = ((item >> 13) << 11) + (item & 2047)
    usel = (user >> 11) & 3
    isel = (item >> 11) & 3
    u3 = up.reshape(NW, IDX_J, IDX_L)
    i3 = ip.reshape(NW, IDX_J, IDX_L)
    uw4, iw4 = _detile(user_weight.T, item_weight.T)
    ue4, ie4 = _sc_gather(uw4, iw4, u3, i3)
    t, loss = _finish(
        ue4.reshape(B, 128), ie4.reshape(B, 128),
        usel.reshape(B, 1), isel.reshape(B, 1),
        rating.reshape(B, 1), W_affine.reshape(1, HID), b_affine.reshape(1, 1))
    return t.reshape(B), loss.reshape(())

# --- scband reference (transcript-rebuilt; emitter-appended) ---
"""Pipeline reference for scband-gmf-18339510354814 (READ-ONLY COPY).

The authoritative reference and input builder live on the scoring server;
editing this copy changes nothing except your own understanding.
"""

import jax, jax.numpy as jnp
import numpy as np

NUM_USERS = 1000000
NUM_ITEMS = 1000000
HID = 32
B = 16384


def setup_inputs(seed: int = 0) -> dict:
    key = jax.random.key(seed)
    ks = jax.random.split(key, 8)
    user = jax.random.randint(ks[0], (B,), 0, NUM_USERS, dtype=jnp.int64 if jax.config.jax_enable_x64 else jnp.int32)
    item = jax.random.randint(ks[1], (B,), 0, NUM_ITEMS, dtype=jnp.int64 if jax.config.jax_enable_x64 else jnp.int32)
    rating = jax.random.uniform(ks[2], (B,), dtype=jnp.float32)
    # parameters, initialized per reset_parameters()
    user_weight = jax.random.normal(ks[3], (NUM_USERS, HID), dtype=jnp.float32) * 0.01
    item_weight = jax.random.normal(ks[4], (NUM_ITEMS, HID), dtype=jnp.float32) * 0.01
    user_bias = jnp.zeros((NUM_USERS, 1), dtype=jnp.float32)
    item_bias = jnp.zeros((NUM_ITEMS, 1), dtype=jnp.float32)
    W_affine = jax.random.normal(ks[5], (HID, 1), dtype=jnp.float32) * (1.0 / np.sqrt(HID))
    b_affine = jnp.zeros((1,), dtype=jnp.float32)
    return {
        'user': user,
        'item': item,
        'rating': rating,
        'user_weight': user_weight,
        'item_weight': item_weight,
        'user_bias': user_bias,
        'item_bias': item_bias,
        'W_affine': W_affine,
        'b_affine': b_affine,
    }


def reference(user, item, rating, user_weight, item_weight, user_bias, item_bias, W_affine, b_affine):
    # user_embedding = user_weight(user) + user_bias(user)
    ue = jnp.take(user_weight, user, axis=0) + jnp.take(user_bias, user, axis=0)
    # item_embedding = item_weight(item) + item_bias(item)
    ie = jnp.take(item_weight, item, axis=0) + jnp.take(item_bias, item, axis=0)
    # GMF elementwise interaction (info_size is None path)
    pred = ue * ie
    # affine projection to scalar rating
    target_rating = (pred @ W_affine + b_affine).reshape(-1)
    # explicit-feedback MSE loss (loss_fn)
    loss = jnp.mean((target_rating - rating) ** 2)
    return (target_rating, loss)

if __name__ == "__main__":
    import jax
    _d = setup_inputs()
    print(jax.jit(kernel)(*tuple(_d.values())))

</pallas_src>

<mosaic_0001>
#map = affine_map<(d0, d1) -> (0, 0)>
#map1 = affine_map<(d0, d1) -> (0, 0, 0)>
#map2 = affine_map<(d0, d1) -> (0, 0, 0, 0)>
module attributes {stable_mosaic.version = 14 : i64} {
  func.func @_sc_gather(%arg0: i32, %arg1: i32, %arg2: memref<251904x128xf32, #tpu.memory_space<hbm>>, %arg3: memref<251904x128xf32, #tpu.memory_space<hbm>>, %arg4: memref<32x4x128xi32, #tpu.memory_space<hbm>>, %arg5: memref<32x4x128xi32, #tpu.memory_space<hbm>>, %arg6: memref<32x4x128x128xf32, #tpu.memory_space<hbm>>, %arg7: memref<32x4x128x128xf32, #tpu.memory_space<hbm>>, %arg8: memref<4x128xi32, #tpu.memory_space<vmem>>, %arg9: memref<4x128xi32, #tpu.memory_space<vmem>>, %arg10: memref<128x128xf32, #tpu.memory_space<vmem>>, %arg11: memref<128x128xf32, #tpu.memory_space<vmem>>, %arg12: memref<!tpu.dma_semaphore, #tpu.memory_space<semaphore_mem>>) attributes {dimension_semantics = [#tpu.dimension_semantics<core_parallel>, #tpu.dimension_semantics<subcore_parallel>], iteration_bounds = array<i64: 2, 16>, scalar_prefetch = 0 : i64, scratch_operands = 5 : i64, tpu.core_type = #tpu.core_type<sc_vector_subcore>, window_params = [{transform_indices = #map}, {transform_indices = #map}, {transform_indices = #map1}, {transform_indices = #map1}, {transform_indices = #map2}, {transform_indices = #map2}]} {
    %mul3A = arith.constant 2 : i32
    %mul3A_0 = arith.muli %arg1, %mul3A : i32
    %add3A = arith.addi %mul3A_0, %arg0 : i32
    "tpu.region"() ({
      %run_scoped3A_118 = tpu.sem_alloc : memref<!tpu.dma_semaphore, #tpu.memory_space<semaphore_mem>>
      %dma_start3A_119 = arith.constant 0 : i32
      %dma_start3A_120 = arith.constant 0 : i32
      %dma_start3A_121 = tpu.memref_slice %arg4[%add3A, %dma_start3A_119, %dma_start3A_120] : memref<32x4x128xi32, #tpu.memory_space<hbm>> -> memref<1x4x128xi32, #tpu.memory_space<hbm>>
      %dma_start3A_122 = tpu.memref_squeeze %dma_start3A_121 : memref<1x4x128xi32, #tpu.memory_space<hbm>> -> memref<4x128xi32, #tpu.memory_space<hbm>>
      %dma_start3A_123 = arith.constant 0 : i32
      %dma_start3A_124 = arith.constant 0 : i32
      %dma_start3A_125 = tpu.memref_slice %arg4[%add3A, %dma_start3A_123, %dma_start3A_124] : memref<32x4x128xi32, #tpu.memory_space<hbm>> -> memref<1x4x128xi32, #tpu.memory_space<hbm>>
      %dma_start3A_126 = tpu.memref_squeeze %dma_start3A_125 : memref<1x4x128xi32, #tpu.memory_space<hbm>> -> memref<4x128xi32, #tpu.memory_space<hbm>>
      tpu.enqueue_dma source(%dma_start3A_126 : memref<4x128xi32, #tpu.memory_space<hbm>>) target(%arg8 : memref<4x128xi32, #tpu.memory_space<vmem>>) target_semaphore(%run_scoped3A_118 : memref<!tpu.dma_semaphore, #tpu.memory_space<semaphore_mem>>)
      %dma_wait3A_127 = arith.constant 0 : i32
      %dma_wait3A_128 = arith.constant 0 : i32
      %dma_wait3A_129 = tpu.memref_slice %arg4[%add3A, %dma_wait3A_127, %dma_wait3A_128] : memref<32x4x128xi32, #tpu.memory_space<hbm>> -> memref<1x4x128xi32, #tpu.memory_space<hbm>>
      %dma_wait3A_130 = tpu.memref_squeeze %dma_wait3A_129 : memref<1x4x128xi32, #tpu.memory_space<hbm>> -> memref<4x128xi32, #tpu.memory_space<hbm>>
      %dma_wait3A_131 = arith.constant 0 : i32
      %dma_wait3A_132 = arith.constant 0 : i32
      %dma_wait3A_133 = tpu.memref_slice %arg4[%add3A, %dma_wait3A_131, %dma_wait3A_132] : memref<32x4x128xi32, #tpu.memory_space<hbm>> -> memref<1x4x128xi32, #tpu.memory_space<hbm>>
      %dma_wait3A_134 = tpu.memref_squeeze %dma_wait3A_133 : memref<1x4x128xi32, #tpu.memory_space<hbm>> -> memref<4x128xi32, #tpu.memory_space<hbm>>
      tpu.wait_dma2 semaphore(%run_scoped3A_118 : memref<!tpu.dma_semaphore, #tpu.memory_space<semaphore_mem>>) src(%dma_wait3A_134 : memref<4x128xi32, #tpu.memory_space<hbm>>) dst(%arg8 : memref<4x128xi32, #tpu.memory_space<vmem>>)
      tpu.yield
    }) : () -> ()
    "tpu.region"() ({
      %run_scoped3A_118 = tpu.sem_alloc : memref<!tpu.dma_semaphore, #tpu.memory_space<semaphore_mem>>
      %dma_start3A_119 = arith.constant 0 : i32
      %dma_start3A_120 = arith.constant 0 : i32
      %dma_start3A_121 = tpu.memref_slice %arg5[%add3A, %dma_start3A_119, %dma_start3A_120] : memref<32x4x128xi32, #tpu.memory_space<hbm>> -> memref<1x4x128xi32, #tpu.memory_space<hbm>>
      %dma_start3A_122 = tpu.memref_squeeze %dma_start3A_121 : memref<1x4x128xi32, #tpu.memory_space<hbm>> -> memref<4x128xi32, #tpu.memory_space<hbm>>
      %dma_start3A_123 = arith.constant 0 : i32
      %dma_start3A_124 = arith.constant 0 : i32
      %dma_start3A_125 = tpu.memref_slice %arg5[%add3A, %dma_start3A_123, %dma_start3A_124] : memref<32x4x128xi32, #tpu.memory_space<hbm>> -> memref<1x4x128xi32, #tpu.memory_space<hbm>>
      %dma_start3A_126 = tpu.memref_squeeze %dma_start3A_125 : memref<1x4x128xi32, #tpu.memory_space<hbm>> -> memref<4x128xi32, #tpu.memory_space<hbm>>
      tpu.enqueue_dma source(%dma_start3A_126 : memref<4x128xi32, #tpu.memory_space<hbm>>) target(%arg9 : memref<4x128xi32, #tpu.memory_space<vmem>>) target_semaphore(%run_scoped3A_118 : memref<!tpu.dma_semaphore, #tpu.memory_space<semaphore_mem>>)
      %dma_wait3A_127 = arith.constant 0 : i32
      %dma_wait3A_128 = arith.constant 0 : i32
      %dma_wait3A_129 = tpu.memref_slice %arg5[%add3A, %dma_wait3A_127, %dma_wait3A_128] : memref<32x4x128xi32, #tpu.memory_space<hbm>> -> memref<1x4x128xi32, #tpu.memory_space<hbm>>
      %dma_wait3A_130 = tpu.memref_squeeze %dma_wait3A_129 : memref<1x4x128xi32, #tpu.memory_space<hbm>> -> memref<4x128xi32, #tpu.memory_space<hbm>>
      %dma_wait3A_131 = arith.constant 0 : i32
      %dma_wait3A_132 = arith.constant 0 : i32
      %dma_wait3A_133 = tpu.memref_slice %arg5[%add3A, %dma_wait3A_131, %dma_wait3A_132] : memref<32x4x128xi32, #tpu.memory_space<hbm>> -> memref<1x4x128xi32, #tpu.memory_space<hbm>>
      %dma_wait3A_134 = tpu.memref_squeeze %dma_wait3A_133 : memref<1x4x128xi32, #tpu.memory_space<hbm>> -> memref<4x128xi32, #tpu.memory_space<hbm>>
      tpu.wait_dma2 semaphore(%run_scoped3A_118 : memref<!tpu.dma_semaphore, #tpu.memory_space<semaphore_mem>>) src(%dma_wait3A_134 : memref<4x128xi32, #tpu.memory_space<hbm>>) dst(%arg9 : memref<4x128xi32, #tpu.memory_space<vmem>>)
      tpu.yield
    }) : () -> ()
    %dma_start3A = arith.constant 0 : i32
    %dma_start3A_1 = arith.constant 0 : i32
    %dma_start3A_2 = tpu.memref_slice %arg8[%dma_start3A, %dma_start3A_1] : memref<4x128xi32, #tpu.memory_space<vmem>> -> memref<1x128xi32, #tpu.memory_space<vmem>>
    %dma_start3A_3 = tpu.memref_squeeze %dma_start3A_2 : memref<1x128xi32, #tpu.memory_space<vmem>> -> memref<128xi32, #tpu.memory_space<vmem>>
    %dma_start3A_4 = arith.constant 0 : i32
    %dma_start3A_5 = arith.constant 0 : i32
    %dma_start3A_6 = tpu.memref_slice %arg2[%dma_start3A_4, %dma_start3A_5] : memref<251904x128xf32, #tpu.memory_space<hbm>> -> memref<251904x128xf32, #tpu.memory_space<hbm>>
    tpu.enqueue_indirect_dma source(%dma_start3A_6 : memref<251904x128xf32, #tpu.memory_space<hbm>>) target(%arg10 : memref<128x128xf32, #tpu.memory_space<vmem>>) offsets(%dma_start3A_3 : memref<128xi32, #tpu.memory_space<vmem>>) semaphore(%arg12 : memref<!tpu.dma_semaphore, #tpu.memory_space<semaphore_mem>>)
    %dma_start3A_7 = arith.constant 0 : i32
    %dma_start3A_8 = arith.constant 0 : i32
    %dma_start3A_9 = tpu.memref_slice %arg9[%dma_start3A_7, %dma_start3A_8] : memref<4x128xi32, #tpu.memory_space<vmem>> -> memref<1x128xi32, #tpu.memory_space<vmem>>
    %dma_start3A_10 = tpu.memref_squeeze %dma_start3A_9 : memref<1x128xi32, #tpu.memory_space<vmem>> -> memref<128xi32, #tpu.memory_space<vmem>>
    %dma_start3A_11 = arith.constant 0 : i32
    %dma_start3A_12 = arith.constant 0 : i32
    %dma_start3A_13 = tpu.memref_slice %arg3[%dma_start3A_11, %dma_start3A_12] : memref<251904x128xf32, #tpu.memory_space<hbm>> -> memref<251904x128xf32, #tpu.memory_space<hbm>>
    tpu.enqueue_indirect_dma source(%dma_start3A_13 : memref<251904x128xf32, #tpu.memory_space<hbm>>) target(%arg11 : memref<128x128xf32, #tpu.memory_space<vmem>>) offsets(%dma_start3A_10 : memref<128xi32, #tpu.memory_space<vmem>>) semaphore(%arg12 : memref<!tpu.dma_semaphore, #tpu.memory_space<semaphore_mem>>)
    %dma_wait3A = arith.constant 0 : i32
    %dma_wait3A_14 = arith.constant 0 : i32
    %dma_wait3A_15 = tpu.memref_slice %arg8[%dma_wait3A, %dma_wait3A_14] : memref<4x128xi32, #tpu.memory_space<vmem>> -> memref<1x128xi32, #tpu.memory_space<vmem>>
    %dma_wait3A_16 = tpu.memref_squeeze %dma_wait3A_15 : memref<1x128xi32, #tpu.memory_space<vmem>> -> memref<128xi32, #tpu.memory_space<vmem>>
    %dma_wait3A_17 = arith.constant 0 : i32
    %dma_wait3A_18 = arith.constant 0 : i32
    %dma_wait3A_19 = tpu.memref_slice %arg2[%dma_wait3A_17, %dma_wait3A_18] : memref<251904x128xf32, #tpu.memory_space<hbm>> -> memref<251904x128xf32, #tpu.memory_space<hbm>>
    tpu.wait_indirect_dma semaphore(%arg12 : memref<!tpu.dma_semaphore, #tpu.memory_space<semaphore_mem>>) src(%dma_wait3A_19 : memref<251904x128xf32, #tpu.memory_space<hbm>>) dst(%arg10 : memref<128x128xf32, #tpu.memory_space<vmem>>)
    %dma_wait3A_20 = arith.constant 0 : i32
    %dma_wait3A_21 = arith.constant 0 : i32
    %dma_wait3A_22 = tpu.memref_slice %arg9[%dma_wait3A_20, %dma_wait3A_21] : memref<4x128xi32, #tpu.memory_space<vmem>> -> memref<1x128xi32, #tpu.memory_space<vmem>>
    %dma_wait3A_23 = tpu.memref_squeeze %dma_wait3A_22 : memref<1x128xi32, #tpu.memory_space<vmem>> -> memref<128xi32, #tpu.memory_space<vmem>>
    %dma_wait3A_24 = arith.constant 0 : i32
    %dma_wait3A_25 = arith.constant 0 : i32
    %dma_wait3A_26 = tpu.memref_slice %arg3[%dma_wait3A_24, %dma_wait3A_25] : memref<251904x128xf32, #tpu.memory_space<hbm>> -> memref<251904x128xf32, #tpu.memory_space<hbm>>
    tpu.wait_indirect_dma semaphore(%arg12 : memref<!tpu.dma_semaphore, #tpu.memory_space<semaphore_mem>>) src(%dma_wait3A_26 : memref<251904x128xf32, #tpu.memory_space<hbm>>) dst(%arg11 : memref<128x128xf32, #tpu.memory_space<vmem>>)
    %run_scoped3A = arith.constant 0 : i32
    "tpu.region"() ({
      %run_scoped3A_118 = tpu.sem_alloc : memref<!tpu.dma_semaphore, #tpu.memory_space<semaphore_mem>>
      %dma_start3A_119 = arith.constant 0 : i32
      %dma_start3A_120 = arith.constant 0 : i32
      %dma_start3A_121 = tpu.memref_slice %arg6[%add3A, %run_scoped3A, %dma_start3A_119, %dma_start3A_120] : memref<32x4x128x128xf32, #tpu.memory_space<hbm>> -> memref<1x1x128x128xf32, #tpu.memory_space<hbm>>
      %dma_start3A_122 = tpu.memref_squeeze %dma_start3A_121 : memref<1x1x128x128xf32, #tpu.memory_space<hbm>> -> memref<128x128xf32, #tpu.memory_space<hbm>>
      %dma_start3A_123 = arith.constant 0 : i32
      %dma_start3A_124 = arith.constant 0 : i32
      %dma_start3A_125 = tpu.memref_slice %arg6[%add3A, %run_scoped3A, %dma_start3A_123, %dma_start3A_124] : memref<32x4x128x128xf32, #tpu.memory_space<hbm>> -> memref<1x1x128x128xf32, #tpu.memory_space<hbm>>
      %dma_start3A_126 = tpu.memref_squeeze %dma_start3A_125 : memref<1x1x128x128xf32, #tpu.memory_space<hbm>> -> memref<128x128xf32, #tpu.memory_space<hbm>>
      tpu.enqueue_dma source(%arg10 : memref<128x128xf32, #tpu.memory_space<vmem>>) target(%dma_start3A_126 : memref<128x128xf32, #tpu.memory_space<hbm>>) target_semaphore(%run_scoped3A_118 : memref<!tpu.dma_semaphore, #tpu.memory_space<semaphore_mem>>)
      %dma_wait3A_127 = arith.constant 0 : i32
      %dma_wait3A_128 = arith.constant 0 : i32
      %dma_wait3A_129 = tpu.memref_slice %arg6[%add3A, %run_scoped3A, %dma_wait3A_127, %dma_wait3A_128] : memref<32x4x128x128xf32, #tpu.memory_space<hbm>> -> memref<1x1x128x128xf32, #tpu.memory_space<hbm>>
      %dma_wait3A_130 = tpu.memref_squeeze %dma_wait3A_129 : memref<1x1x128x128xf32, #tpu.memory_space<hbm>> -> memref<128x128xf32, #tpu.memory_space<hbm>>
      %dma_wait3A_131 = arith.constant 0 : i32
      %dma_wait3A_132 = arith.constant 0 : i32
      %dma_wait3A_133 = tpu.memref_slice %arg6[%add3A, %run_scoped3A, %dma_wait3A_131, %dma_wait3A_132] : memref<32x4x128x128xf32, #tpu.memory_space<hbm>> -> memref<1x1x128x128xf32, #tpu.memory_space<hbm>>
      %dma_wait3A_134 = tpu.memref_squeeze %dma_wait3A_133 : memref<1x1x128x128xf32, #tpu.memory_space<hbm>> -> memref<128x128xf32, #tpu.memory_space<hbm>>
      tpu.wait_dma2 semaphore(%run_scoped3A_118 : memref<!tpu.dma_semaphore, #tpu.memory_space<semaphore_mem>>) src(%arg10 : memref<128x128xf32, #tpu.memory_space<vmem>>) dst(%dma_wait3A_134 : memref<128x128xf32, #tpu.memory_space<hbm>>)
      tpu.yield
    }) : () -> ()
    %run_scoped3A_27 = arith.constant 0 : i32
    "tpu.region"() ({
      %run_scoped3A_118 = tpu.sem_alloc : memref<!tpu.dma_semaphore, #tpu.memory_space<semaphore_mem>>
      %dma_start3A_119 = arith.constant 0 : i32
      %dma_start3A_120 = arith.constant 0 : i32
      %dma_start3A_121 = tpu.memref_slice %arg7[%add3A, %run_scoped3A_27, %dma_start3A_119, %dma_start3A_120] : memref<32x4x128x128xf32, #tpu.memory_space<hbm>> -> memref<1x1x128x128xf32, #tpu.memory_space<hbm>>
      %dma_start3A_122 = tpu.memref_squeeze %dma_start3A_121 : memref<1x1x128x128xf32, #tpu.memory_space<hbm>> -> memref<128x128xf32, #tpu.memory_space<hbm>>
      %dma_start3A_123 = arith.constant 0 : i32
      %dma_start3A_124 = arith.constant 0 : i32
      %dma_start3A_125 = tpu.memref_slice %arg7[%add3A, %run_scoped3A_27, %dma_start3A_123, %dma_start3A_124] : memref<32x4x128x128xf32, #tpu.memory_space<hbm>> -> memref<1x1x128x128xf32, #tpu.memory_space<hbm>>
      %dma_start3A_126 = tpu.memref_squeeze %dma_start3A_125 : memref<1x1x128x128xf32, #tpu.memory_space<hbm>> -> memref<128x128xf32, #tpu.memory_space<hbm>>
      tpu.enqueue_dma source(%arg11 : memref<128x128xf32, #tpu.memory_space<vmem>>) target(%dma_start3A_126 : memref<128x128xf32, #tpu.memory_space<hbm>>) target_semaphore(%run_scoped3A_118 : memref<!tpu.dma_semaphore, #tpu.memory_space<semaphore_mem>>)
      %dma_wait3A_127 = arith.constant 0 : i32
      %dma_wait3A_128 = arith.constant 0 : i32
      %dma_wait3A_129 = tpu.memref_slice %arg7[%add3A, %run_scoped3A_27, %dma_wait3A_127, %dma_wait3A_128] : memref<32x4x128x128xf32, #tpu.memory_space<hbm>> -> memref<1x1x128x128xf32, #tpu.memory_space<hbm>>
      %dma_wait3A_130 = tpu.memref_squeeze %dma_wait3A_129 : memref<1x1x128x128xf32, #tpu.memory_space<hbm>> -> memref<128x128xf32, #tpu.memory_space<hbm>>
      %dma_wait3A_131 = arith.constant 0 : i32
      %dma_wait3A_132 = arith.constant 0 : i32
      %dma_wait3A_133 = tpu.memref_slice %arg7[%add3A, %run_scoped3A_27, %dma_wait3A_131, %dma_wait3A_132] : memref<32x4x128x128xf32, #tpu.memory_space<hbm>> -> memref<1x1x128x128xf32, #tpu.memory_space<hbm>>
      %dma_wait3A_134 = tpu.memref_squeeze %dma_wait3A_133 : memref<1x1x128x128xf32, #tpu.memory_space<hbm>> -> memref<128x128xf32, #tpu.memory_space<hbm>>
      tpu.wait_dma2 semaphore(%run_scoped3A_118 : memref<!tpu.dma_semaphore, #tpu.memory_space<semaphore_mem>>) src(%arg11 : memref<128x128xf32, #tpu.memory_space<vmem>>) dst(%dma_wait3A_134 : memref<128x128xf32, #tpu.memory_space<hbm>>)
      tpu.yield
    }) : () -> ()
    %dma_start3A_28 = arith.constant 1 : i32
    %dma_start3A_29 = arith.constant 0 : i32
    %dma_start3A_30 = tpu.memref_slice %arg8[%dma_start3A_28, %dma_start3A_29] : memref<4x128xi32, #tpu.memory_space<vmem>> -> memref<1x128xi32, #tpu.memory_space<vmem>>
    %dma_start3A_31 = tpu.memref_squeeze %dma_start3A_30 : memref<1x128xi32, #tpu.memory_space<vmem>> -> memref<128xi32, #tpu.memory_space<vmem>>
    %dma_start3A_32 = arith.constant 0 : i32
    %dma_start3A_33 = arith.constant 0 : i32
    %dma_start3A_34 = tpu.memref_slice %arg2[%dma_start3A_32, %dma_start3A_33] : memref<251904x128xf32, #tpu.memory_space<hbm>> -> memref<251904x128xf32, #tpu.memory_space<hbm>>
    tpu.enqueue_indirect_dma source(%dma_start3A_34 : memref<251904x128xf32, #tpu.memory_space<hbm>>) target(%arg10 : memref<128x128xf32, #tpu.memory_space<vmem>>) offsets(%dma_start3A_31 : memref<128xi32, #tpu.memory_space<vmem>>) semaphore(%arg12 : memref<!tpu.dma_semaphore, #tpu.memory_space<semaphore_mem>>)
    %dma_start3A_35 = arith.constant 1 : i32
    %dma_start3A_36 = arith.constant 0 : i32
    %dma_start3A_37 = tpu.memref_slice %arg9[%dma_start3A_35, %dma_start3A_36] : memref<4x128xi32, #tpu.memory_space<vmem>> -> memref<1x128xi32, #tpu.memory_space<vmem>>
    %dma_start3A_38 = tpu.memref_squeeze %dma_start3A_37 : memref<1x128xi32, #tpu.memory_space<vmem>> -> memref<128xi32, #tpu.memory_space<vmem>>
    %dma_start3A_39 = arith.constant 0 : i32
    %dma_start3A_40 = arith.constant 0 : i32
    %dma_start3A_41 = tpu.memref_slice %arg3[%dma_start3A_39, %dma_start3A_40] : memref<251904x128xf32, #tpu.memory_space<hbm>> -> memref<251904x128xf32, #tpu.memory_space<hbm>>
    tpu.enqueue_indirect_dma source(%dma_start3A_41 : memref<251904x128xf32, #tpu.memory_space<hbm>>) target(%arg11 : memref<128x128xf32, #tpu.memory_space<vmem>>) offsets(%dma_start3A_38 : memref<128xi32, #tpu.memory_space<vmem>>) semaphore(%arg12 : memref<!tpu.dma_semaphore, #tpu.memory_space<semaphore_mem>>)
    %dma_wait3A_42 = arith.constant 1 : i32
    %dma_wait3A_43 = arith.constant 0 : i32
    %dma_wait3A_44 = tpu.memref_slice %arg8[%dma_wait3A_42, %dma_wait3A_43] : memref<4x128xi32, #tpu.memory_space<vmem>> -> memref<1x128xi32, #tpu.memory_space<vmem>>
    %dma_wait3A_45 = tpu.memref_squeeze %dma_wait3A_44 : memref<1x128xi32, #tpu.memory_space<vmem>> -> memref<128xi32, #tpu.memory_space<vmem>>
    %dma_wait3A_46 = arith.constant 0 : i32
    %dma_wait3A_47 = arith.constant 0 : i32
    %dma_wait3A_48 = tpu.memref_slice %arg2[%dma_wait3A_46, %dma_wait3A_47] : memref<251904x128xf32, #tpu.memory_space<hbm>> -> memref<251904x128xf32, #tpu.memory_space<hbm>>
    tpu.wait_indirect_dma semaphore(%arg12 : memref<!tpu.dma_semaphore, #tpu.memory_space<semaphore_mem>>) src(%dma_wait3A_48 : memref<251904x128xf32, #tpu.memory_space<hbm>>) dst(%arg10 : memref<128x128xf32, #tpu.memory_space<vmem>>)
    %dma_wait3A_49 = arith.constant 1 : i32
    %dma_wait3A_50 = arith.constant 0 : i32
    %dma_wait3A_51 = tpu.memref_slice %arg9[%dma_wait3A_49, %dma_wait3A_50] : memref<4x128xi32, #tpu.memory_space<vmem>> -> memref<1x128xi32, #tpu.memory_space<vmem>>
    %dma_wait3A_52 = tpu.memref_squeeze %dma_wait3A_51 : memref<1x128xi32, #tpu.memory_space<vmem>> -> memref<128xi32, #tpu.memory_space<vmem>>
    %dma_wait3A_53 = arith.constant 0 : i32
    %dma_wait3A_54 = arith.constant 0 : i32
    %dma_wait3A_55 = tpu.memref_slice %arg3[%dma_wait3A_53, %dma_wait3A_54] : memref<251904x128xf32, #tpu.memory_space<hbm>> -> memref<251904x128xf32, #tpu.memory_space<hbm>>
    tpu.wait_indirect_dma semaphore(%arg12 : memref<!tpu.dma_semaphore, #tpu.memory_space<semaphore_mem>>) src(%dma_wait3A_55 : memref<251904x128xf32, #tpu.memory_space<hbm>>) dst(%arg11 : memref<128x128xf32, #tpu.memory_space<vmem>>)
    %run_scoped3A_56 = arith.constant 1 : i32
    "tpu.region"() ({
      %run_scoped3A_118 = tpu.sem_alloc : memref<!tpu.dma_semaphore, #tpu.memory_space<semaphore_mem>>
      %dma_start3A_119 = arith.constant 0 : i32
      %dma_start3A_120 = arith.constant 0 : i32
      %dma_start3A_121 = tpu.memref_slice %arg6[%add3A, %run_scoped3A_56, %dma_start3A_119, %dma_start3A_120] : memref<32x4x128x128xf32, #tpu.memory_space<hbm>> -> memref<1x1x128x128xf32, #tpu.memory_space<hbm>>
      %dma_start3A_122 = tpu.memref_squeeze %dma_start3A_121 : memref<1x1x128x128xf32, #tpu.memory_space<hbm>> -> memref<128x128xf32, #tpu.memory_space<hbm>>
      %dma_start3A_123 = arith.constant 0 : i32
      %dma_start3A_124 = arith.constant 0 : i32
      %dma_start3A_125 = tpu.memref_slice %arg6[%add3A, %run_scoped3A_56, %dma_start3A_123, %dma_start3A_124] : memref<32x4x128x128xf32, #tpu.memory_space<hbm>> -> memref<1x1x128x128xf32, #tpu.memory_space<hbm>>
      %dma_start3A_126 = tpu.memref_squeeze %dma_start3A_125 : memref<1x1x128x128xf32, #tpu.memory_space<hbm>> -> memref<128x128xf32, #tpu.memory_space<hbm>>
      tpu.enqueue_dma source(%arg10 : memref<128x128xf32, #tpu.memory_space<vmem>>) target(%dma_start3A_126 : memref<128x128xf32, #tpu.memory_space<hbm>>) target_semaphore(%run_scoped3A_118 : memref<!tpu.dma_semaphore, #tpu.memory_space<semaphore_mem>>)
      %dma_wait3A_127 = arith.constant 0 : i32
      %dma_wait3A_128 = arith.constant 0 : i32
      %dma_wait3A_129 = tpu.memref_slice %arg6[%add3A, %run_scoped3A_56, %dma_wait3A_127, %dma_wait3A_128] : memref<32x4x128x128xf32, #tpu.memory_space<hbm>> -> memref<1x1x128x128xf32, #tpu.memory_space<hbm>>
      %dma_wait3A_130 = tpu.memref_squeeze %dma_wait3A_129 : memref<1x1x128x128xf32, #tpu.memory_space<hbm>> -> memref<128x128xf32, #tpu.memory_space<hbm>>
      %dma_wait3A_131 = arith.constant 0 : i32
      %dma_wait3A_132 = arith.constant 0 : i32
      %dma_wait3A_133 = tpu.memref_slice %arg6[%add3A, %run_scoped3A_56, %dma_wait3A_131, %dma_wait3A_132] : memref<32x4x128x128xf32, #tpu.memory_space<hbm>> -> memref<1x1x128x128xf32, #tpu.memory_space<hbm>>
      %dma_wait3A_134 = tpu.memref_squeeze %dma_wait3A_133 : memref<1x1x128x128xf32, #tpu.memory_space<hbm>> -> memref<128x128xf32, #tpu.memory_space<hbm>>
      tpu.wait_dma2 semaphore(%run_scoped3A_118 : memref<!tpu.dma_semaphore, #tpu.memory_space<semaphore_mem>>) src(%arg10 : memref<128x128xf32, #tpu.memory_space<vmem>>) dst(%dma_wait3A_134 : memref<128x128xf32, #tpu.memory_space<hbm>>)
      tpu.yield
    }) : () -> ()
    %run_scoped3A_57 = arith.constant 1 : i32
    "tpu.region"() ({
      %run_scoped3A_118 = tpu.sem_alloc : memref<!tpu.dma_semaphore, #tpu.memory_space<semaphore_mem>>
      %dma_start3A_119 = arith.constant 0 : i32
      %dma_start3A_120 = arith.constant 0 : i32
      %dma_start3A_121 = tpu.memref_slice %arg7[%add3A, %run_scoped3A_57, %dma_start3A_119, %dma_start3A_120] : memref<32x4x128x128xf32, #tpu.memory_space<hbm>> -> memref<1x1x128x128xf32, #tpu.memory_space<hbm>>
      %dma_start3A_122 = tpu.memref_squeeze %dma_start3A_121 : memref<1x1x128x128xf32, #tpu.memory_space<hbm>> -> memref<128x128xf32, #tpu.memory_space<hbm>>
      %dma_start3A_123 = arith.constant 0 : i32
      %dma_start3A_124 = arith.constant 0 : i32
      %dma_start3A_125 = tpu.memref_slice %arg7[%add3A, %run_scoped3A_57, %dma_start3A_123, %dma_start3A_124] : memref<32x4x128x128xf32, #tpu.memory_space<hbm>> -> memref<1x1x128x128xf32, #tpu.memory_space<hbm>>
      %dma_start3A_126 = tpu.memref_squeeze %dma_start3A_125 : memref<1x1x128x128xf32, #tpu.memory_space<hbm>> -> memref<128x128xf32, #tpu.memory_space<hbm>>
      tpu.enqueue_dma source(%arg11 : memref<128x128xf32, #tpu.memory_space<vmem>>) target(%dma_start3A_126 : memref<128x128xf32, #tpu.memory_space<hbm>>) target_semaphore(%run_scoped3A_118 : memref<!tpu.dma_semaphore, #tpu.memory_space<semaphore_mem>>)
      %dma_wait3A_127 = arith.constant 0 : i32
      %dma_wait3A_128 = arith.constant 0 : i32
      %dma_wait3A_129 = tpu.memref_slice %arg7[%add3A, %run_scoped3A_57, %dma_wait3A_127, %dma_wait3A_128] : memref<32x4x128x128xf32, #tpu.memory_space<hbm>> -> memref<1x1x128x128xf32, #tpu.memory_space<hbm>>
      %dma_wait3A_130 = tpu.memref_squeeze %dma_wait3A_129 : memref<1x1x128x128xf32, #tpu.memory_space<hbm>> -> memref<128x128xf32, #tpu.memory_space<hbm>>
      %dma_wait3A_131 = arith.constant 0 : i32
      %dma_wait3A_132 = arith.constant 0 : i32
      %dma_wait3A_133 = tpu.memref_slice %arg7[%add3A, %run_scoped3A_57, %dma_wait3A_131, %dma_wait3A_132] : memref<32x4x128x128xf32, #tpu.memory_space<hbm>> -> memref<1x1x128x128xf32, #tpu.memory_space<hbm>>
      %dma_wait3A_134 = tpu.memref_squeeze %dma_wait3A_133 : memref<1x1x128x128xf32, #tpu.memory_space<hbm>> -> memref<128x128xf32, #tpu.memory_space<hbm>>
      tpu.wait_dma2 semaphore(%run_scoped3A_118 : memref<!tpu.dma_semaphore, #tpu.memory_space<semaphore_mem>>) src(%arg11 : memref<128x128xf32, #tpu.memory_space<vmem>>) dst(%dma_wait3A_134 : memref<128x128xf32, #tpu.memory_space<hbm>>)
      tpu.yield
    }) : () -> ()
    %dma_start3A_58 = arith.constant 2 : i32
    %dma_start3A_59 = arith.constant 0 : i32
    %dma_start3A_60 = tpu.memref_slice %arg8[%dma_start3A_58, %dma_start3A_59] : memref<4x128xi32, #tpu.memory_space<vmem>> -> memref<1x128xi32, #tpu.memory_space<vmem>>
    %dma_start3A_61 = tpu.memref_squeeze %dma_start3A_60 : memref<1x128xi32, #tpu.memory_space<vmem>> -> memref<128xi32, #tpu.memory_space<vmem>>
    %dma_start3A_62 = arith.constant 0 : i32
    %dma_start3A_63 = arith.constant 0 : i32
    %dma_start3A_64 = tpu.memref_slice %arg2[%dma_start3A_62, %dma_start3A_63] : memref<251904x128xf32, #tpu.memory_space<hbm>> -> memref<251904x128xf32, #tpu.memory_space<hbm>>
    tpu.enqueue_indirect_dma source(%dma_start3A_64 : memref<251904x128xf32, #tpu.memory_space<hbm>>) target(%arg10 : memref<128x128xf32, #tpu.memory_space<vmem>>) offsets(%dma_start3A_61 : memref<128xi32, #tpu.memory_space<vmem>>) semaphore(%arg12 : memref<!tpu.dma_semaphore, #tpu.memory_space<semaphore_mem>>)
    %dma_start3A_65 = arith.constant 2 : i32
    %dma_start3A_66 = arith.constant 0 : i32
    %dma_start3A_67 = tpu.memref_slice %arg9[%dma_start3A_65, %dma_start3A_66] : memref<4x128xi32, #tpu.memory_space<vmem>> -> memref<1x128xi32, #tpu.memory_space<vmem>>
    %dma_start3A_68 = tpu.memref_squeeze %dma_start3A_67 : memref<1x128xi32, #tpu.memory_space<vmem>> -> memref<128xi32, #tpu.memory_space<vmem>>
    %dma_start3A_69 = arith.constant 0 : i32
    %dma_start3A_70 = arith.constant 0 : i32
    %dma_start3A_71 = tpu.memref_slice %arg3[%dma_start3A_69, %dma_start3A_70] : memref<251904x128xf32, #tpu.memory_space<hbm>> -> memref<251904x128xf32, #tpu.memory_space<hbm>>
    tpu.enqueue_indirect_dma source(%dma_start3A_71 : memref<251904x128xf32, #tpu.memory_space<hbm>>) target(%arg11 : memref<128x128xf32, #tpu.memory_space<vmem>>) offsets(%dma_start3A_68 : memref<128xi32, #tpu.memory_space<vmem>>) semaphore(%arg12 : memref<!tpu.dma_semaphore, #tpu.memory_space<semaphore_mem>>)
    %dma_wait3A_72 = arith.constant 2 : i32
    %dma_wait3A_73 = arith.constant 0 : i32
    %dma_wait3A_74 = tpu.memref_slice %arg8[%dma_wait3A_72, %dma_wait3A_73] : memref<4x128xi32, #tpu.memory_space<vmem>> -> memref<1x128xi32, #tpu.memory_space<vmem>>
    %dma_wait3A_75 = tpu.memref_squeeze %dma_wait3A_74 : memref<1x128xi32, #tpu.memory_space<vmem>> -> memref<128xi32, #tpu.memory_space<vmem>>
    %dma_wait3A_76 = arith.constant 0 : i32
    %dma_wait3A_77 = arith.constant 0 : i32
    %dma_wait3A_78 = tpu.memref_slice %arg2[%dma_wait3A_76, %dma_wait3A_77] : memref<251904x128xf32, #tpu.memory_space<hbm>> -> memref<251904x128xf32, #tpu.memory_space<hbm>>
    tpu.wait_indirect_dma semaphore(%arg12 : memref<!tpu.dma_semaphore, #tpu.memory_space<semaphore_mem>>) src(%dma_wait3A_78 : memref<251904x128xf32, #tpu.memory_space<hbm>>) dst(%arg10 : memref<128x128xf32, #tpu.memory_space<vmem>>)
    %dma_wait3A_79 = arith.constant 2 : i32
    %dma_wait3A_80 = arith.constant 0 : i32
    %dma_wait3A_81 = tpu.memref_slice %arg9[%dma_wait3A_79, %dma_wait3A_80] : memref<4x128xi32, #tpu.memory_space<vmem>> -> memref<1x128xi32, #tpu.memory_space<vmem>>
    %dma_wait3A_82 = tpu.memref_squeeze %dma_wait3A_81 : memref<1x128xi32, #tpu.memory_space<vmem>> -> memref<128xi32, #tpu.memory_space<vmem>>
    %dma_wait3A_83 = arith.constant 0 : i32
    %dma_wait3A_84 = arith.constant 0 : i32
    %dma_wait3A_85 = tpu.memref_slice %arg3[%dma_wait3A_83, %dma_wait3A_84] : memref<251904x128xf32, #tpu.memory_space<hbm>> -> memref<251904x128xf32, #tpu.memory_space<hbm>>
    tpu.wait_indirect_dma semaphore(%arg12 : memref<!tpu.dma_semaphore, #tpu.memory_space<semaphore_mem>>) src(%dma_wait3A_85 : memref<251904x128xf32, #tpu.memory_space<hbm>>) dst(%arg11 : memref<128x128xf32, #tpu.memory_space<vmem>>)
    %run_scoped3A_86 = arith.constant 2 : i32
    "tpu.region"() ({
      %run_scoped3A_118 = tpu.sem_alloc : memref<!tpu.dma_semaphore, #tpu.memory_space<semaphore_mem>>
      %dma_start3A_119 = arith.constant 0 : i32
      %dma_start3A_120 = arith.constant 0 : i32
      %dma_start3A_121 = tpu.memref_slice %arg6[%add3A, %run_scoped3A_86, %dma_start3A_119, %dma_start3A_120] : memref<32x4x128x128xf32, #tpu.memory_space<hbm>> -> memref<1x1x128x128xf32, #tpu.memory_space<hbm>>
      %dma_start3A_122 = tpu.memref_squeeze %dma_start3A_121 : memref<1x1x128x128xf32, #tpu.memory_space<hbm>> -> memref<128x128xf32, #tpu.memory_space<hbm>>
      %dma_start3A_123 = arith.constant 0 : i32
      %dma_start3A_124 = arith.constant 0 : i32
      %dma_start3A_125 = tpu.memref_slice %arg6[%add3A, %run_scoped3A_86, %dma_start3A_123, %dma_start3A_124] : memref<32x4x128x128xf32, #tpu.memory_space<hbm>> -> memref<1x1x128x128xf32, #tpu.memory_space<hbm>>
      %dma_start3A_126 = tpu.memref_squeeze %dma_start3A_125 : memref<1x1x128x128xf32, #tpu.memory_space<hbm>> -> memref<128x128xf32, #tpu.memory_space<hbm>>
      tpu.enqueue_dma source(%arg10 : memref<128x128xf32, #tpu.memory_space<vmem>>) target(%dma_start3A_126 : memref<128x128xf32, #tpu.memory_space<hbm>>) target_semaphore(%run_scoped3A_118 : memref<!tpu.dma_semaphore, #tpu.memory_space<semaphore_mem>>)
      %dma_wait3A_127 = arith.constant 0 : i32
      %dma_wait3A_128 = arith.constant 0 : i32
      %dma_wait3A_129 = tpu.memref_slice %arg6[%add3A, %run_scoped3A_86, %dma_wait3A_127, %dma_wait3A_128] : memref<32x4x128x128xf32, #tpu.memory_space<hbm>> -> memref<1x1x128x128xf32, #tpu.memory_space<hbm>>
      %dma_wait3A_130 = tpu.memref_squeeze %dma_wait3A_129 : memref<1x1x128x128xf32, #tpu.memory_space<hbm>> -> memref<128x128xf32, #tpu.memory_space<hbm>>
      %dma_wait3A_131 = arith.constant 0 : i32
      %dma_wait3A_132 = arith.constant 0 : i32
      %dma_wait3A_133 = tpu.memref_slice %arg6[%add3A, %run_scoped3A_86, %dma_wait3A_131, %dma_wait3A_132] : memref<32x4x128x128xf32, #tpu.memory_space<hbm>> -> memref<1x1x128x128xf32, #tpu.memory_space<hbm>>
      %dma_wait3A_134 = tpu.memref_squeeze %dma_wait3A_133 : memref<1x1x128x128xf32, #tpu.memory_space<hbm>> -> memref<128x128xf32, #tpu.memory_space<hbm>>
      tpu.wait_dma2 semaphore(%run_scoped3A_118 : memref<!tpu.dma_semaphore, #tpu.memory_space<semaphore_mem>>) src(%arg10 : memref<128x128xf32, #tpu.memory_space<vmem>>) dst(%dma_wait3A_134 : memref<128x128xf32, #tpu.memory_space<hbm>>)
      tpu.yield
    }) : () -> ()
    %run_scoped3A_87 = arith.constant 2 : i32
    "tpu.region"() ({
      %run_scoped3A_118 = tpu.sem_alloc : memref<!tpu.dma_semaphore, #tpu.memory_space<semaphore_mem>>
      %dma_start3A_119 = arith.constant 0 : i32
      %dma_start3A_120 = arith.constant 0 : i32
      %dma_start3A_121 = tpu.memref_slice %arg7[%add3A, %run_scoped3A_87, %dma_start3A_119, %dma_start3A_120] : memref<32x4x128x128xf32, #tpu.memory_space<hbm>> -> memref<1x1x128x128xf32, #tpu.memory_space<hbm>>
      %dma_start3A_122 = tpu.memref_squeeze %dma_start3A_121 : memref<1x1x128x128xf32, #tpu.memory_space<hbm>> -> memref<128x128xf32, #tpu.memory_space<hbm>>
      %dma_start3A_123 = arith.constant 0 : i32
      %dma_start3A_124 = arith.constant 0 : i32
      %dma_start3A_125 = tpu.memref_slice %arg7[%add3A, %run_scoped3A_87, %dma_start3A_123, %dma_start3A_124] : memref<32x4x128x128xf32, #tpu.memory_space<hbm>> -> memref<1x1x128x128xf32, #tpu.memory_space<hbm>>
      %dma_start3A_126 = tpu.memref_squeeze %dma_start3A_125 : memref<1x1x128x128xf32, #tpu.memory_space<hbm>> -> memref<128x128xf32, #tpu.memory_space<hbm>>
      tpu.enqueue_dma source(%arg11 : memref<128x128xf32, #tpu.memory_space<vmem>>) target(%dma_start3A_126 : memref<128x128xf32, #tpu.memory_space<hbm>>) target_semaphore(%run_scoped3A_118 : memref<!tpu.dma_semaphore, #tpu.memory_space<semaphore_mem>>)
      %dma_wait3A_127 = arith.constant 0 : i32
      %dma_wait3A_128 = arith.constant 0 : i32
      %dma_wait3A_129 = tpu.memref_slice %arg7[%add3A, %run_scoped3A_87, %dma_wait3A_127, %dma_wait3A_128] : memref<32x4x128x128xf32, #tpu.memory_space<hbm>> -> memref<1x1x128x128xf32, #tpu.memory_space<hbm>>
      %dma_wait3A_130 = tpu.memref_squeeze %dma_wait3A_129 : memref<1x1x128x128xf32, #tpu.memory_space<hbm>> -> memref<128x128xf32, #tpu.memory_space<hbm>>
      %dma_wait3A_131 = arith.constant 0 : i32
      %dma_wait3A_132 = arith.constant 0 : i32
      %dma_wait3A_133 = tpu.memref_slice %arg7[%add3A, %run_scoped3A_87, %dma_wait3A_131, %dma_wait3A_132] : memref<32x4x128x128xf32, #tpu.memory_space<hbm>> -> memref<1x1x128x128xf32, #tpu.memory_space<hbm>>
      %dma_wait3A_134 = tpu.memref_squeeze %dma_wait3A_133 : memref<1x1x128x128xf32, #tpu.memory_space<hbm>> -> memref<128x128xf32, #tpu.memory_space<hbm>>
      tpu.wait_dma2 semaphore(%run_scoped3A_118 : memref<!tpu.dma_semaphore, #tpu.memory_space<semaphore_mem>>) src(%arg11 : memref<128x128xf32, #tpu.memory_space<vmem>>) dst(%dma_wait3A_134 : memref<128x128xf32, #tpu.memory_space<hbm>>)
      tpu.yield
    }) : () -> ()
    %dma_start3A_88 = arith.constant 3 : i32
    %dma_start3A_89 = arith.constant 0 : i32
    %dma_start3A_90 = tpu.memref_slice %arg8[%dma_start3A_88, %dma_start3A_89] : memref<4x128xi32, #tpu.memory_space<vmem>> -> memref<1x128xi32, #tpu.memory_space<vmem>>
    %dma_start3A_91 = tpu.memref_squeeze %dma_start3A_90 : memref<1x128xi32, #tpu.memory_space<vmem>> -> memref<128xi32, #tpu.memory_space<vmem>>
    %dma_start3A_92 = arith.constant 0 : i32
    %dma_start3A_93 = arith.constant 0 : i32
    %dma_start3A_94 = tpu.memref_slice %arg2[%dma_start3A_92, %dma_start3A_93] : memref<251904x128xf32, #tpu.memory_space<hbm>> -> memref<251904x128xf32, #tpu.memory_space<hbm>>
    tpu.enqueue_indirect_dma source(%dma_start3A_94 : memref<251904x128xf32, #tpu.memory_space<hbm>>) target(%arg10 : memref<128x128xf32, #tpu.memory_space<vmem>>) offsets(%dma_start3A_91 : memref<128xi32, #tpu.memory_space<vmem>>) semaphore(%arg12 : memref<!tpu.dma_semaphore, #tpu.memory_space<semaphore_mem>>)
    %dma_start3A_95 = arith.constant 3 : i32
    %dma_start3A_96 = arith.constant 0 : i32
    %dma_start3A_97 = tpu.memref_slice %arg9[%dma_start3A_95, %dma_start3A_96] : memref<4x128xi32, #tpu.memory_space<vmem>> -> memref<1x128xi32, #tpu.memory_space<vmem>>
    %dma_start3A_98 = tpu.memref_squeeze %dma_start3A_97 : memref<1x128xi32, #tpu.memory_space<vmem>> -> memref<128xi32, #tpu.memory_space<vmem>>
    %dma_start3A_99 = arith.constant 0 : i32
    %dma_start3A_100 = arith.constant 0 : i32
    %dma_start3A_101 = tpu.memref_slice %arg3[%dma_start3A_99, %dma_start3A_100] : memref<251904x128xf32, #tpu.memory_space<hbm>> -> memref<251904x128xf32, #tpu.memory_space<hbm>>
    tpu.enqueue_indirect_dma source(%dma_start3A_101 : memref<251904x128xf32, #tpu.memory_space<hbm>>) target(%arg11 : memref<128x128xf32, #tpu.memory_space<vmem>>) offsets(%dma_start3A_98 : memref<128xi32, #tpu.memory_space<vmem>>) semaphore(%arg12 : memref<!tpu.dma_semaphore, #tpu.memory_space<semaphore_mem>>)
    %dma_wait3A_102 = arith.constant 3 : i32
    %dma_wait3A_103 = arith.constant 0 : i32
    %dma_wait3A_104 = tpu.memref_slice %arg8[%dma_wait3A_102, %dma_wait3A_103] : memref<4x128xi32, #tpu.memory_space<vmem>> -> memref<1x128xi32, #tpu.memory_space<vmem>>
    %dma_wait3A_105 = tpu.memref_squeeze %dma_wait3A_104 : memref<1x128xi32, #tpu.memory_space<vmem>> -> memref<128xi32, #tpu.memory_space<vmem>>
    %dma_wait3A_106 = arith.constant 0 : i32
    %dma_wait3A_107 = arith.constant 0 : i32
    %dma_wait3A_108 = tpu.memref_slice %arg2[%dma_wait3A_106, %dma_wait3A_107] : memref<251904x128xf32, #tpu.memory_space<hbm>> -> memref<251904x128xf32, #tpu.memory_space<hbm>>
    tpu.wait_indirect_dma semaphore(%arg12 : memref<!tpu.dma_semaphore, #tpu.memory_space<semaphore_mem>>) src(%dma_wait3A_108 : memref<251904x128xf32, #tpu.memory_space<hbm>>) dst(%arg10 : memref<128x128xf32, #tpu.memory_space<vmem>>)
    %dma_wait3A_109 = arith.constant 3 : i32
    %dma_wait3A_110 = arith.constant 0 : i32
    %dma_wait3A_111 = tpu.memref_slice %arg9[%dma_wait3A_109, %dma_wait3A_110] : memref<4x128xi32, #tpu.memory_space<vmem>> -> memref<1x128xi32, #tpu.memory_space<vmem>>
    %dma_wait3A_112 = tpu.memref_squeeze %dma_wait3A_111 : memref<1x128xi32, #tpu.memory_space<vmem>> -> memref<128xi32, #tpu.memory_space<vmem>>
    %dma_wait3A_113 = arith.constant 0 : i32
    %dma_wait3A_114 = arith.constant 0 : i32
    %dma_wait3A_115 = tpu.memref_slice %arg3[%dma_wait3A_113, %dma_wait3A_114] : memref<251904x128xf32, #tpu.memory_space<hbm>> -> memref<251904x128xf32, #tpu.memory_space<hbm>>
    tpu.wait_indirect_dma semaphore(%arg12 : memref<!tpu.dma_semaphore, #tpu.memory_space<semaphore_mem>>) src(%dma_wait3A_115 : memref<251904x128xf32, #tpu.memory_space<hbm>>) dst(%arg11 : memref<128x128xf32, #tpu.memory_space<vmem>>)
    %run_scoped3A_116 = arith.constant 3 : i32
    "tpu.region"() ({
      %run_scoped3A_118 = tpu.sem_alloc : memref<!tpu.dma_semaphore, #tpu.memory_space<semaphore_mem>>
      %dma_start3A_119 = arith.constant 0 : i32
      %dma_start3A_120 = arith.constant 0 : i32
      %dma_start3A_121 = tpu.memref_slice %arg6[%add3A, %run_scoped3A_116, %dma_start3A_119, %dma_start3A_120] : memref<32x4x128x128xf32, #tpu.memory_space<hbm>> -> memref<1x1x128x128xf32, #tpu.memory_space<hbm>>
      %dma_start3A_122 = tpu.memref_squeeze %dma_start3A_121 : memref<1x1x128x128xf32, #tpu.memory_space<hbm>> -> memref<128x128xf32, #tpu.memory_space<hbm>>
      %dma_start3A_123 = arith.constant 0 : i32
      %dma_start3A_124 = arith.constant 0 : i32
      %dma_start3A_125 = tpu.memref_slice %arg6[%add3A, %run_scoped3A_116, %dma_start3A_123, %dma_start3A_124] : memref<32x4x128x128xf32, #tpu.memory_space<hbm>> -> memref<1x1x128x128xf32, #tpu.memory_space<hbm>>
      %dma_start3A_126 = tpu.memref_squeeze %dma_start3A_125 : memref<1x1x128x128xf32, #tpu.memory_space<hbm>> -> memref<128x128xf32, #tpu.memory_space<hbm>>
      tpu.enqueue_dma source(%arg10 : memref<128x128xf32, #tpu.memory_space<vmem>>) target(%dma_start3A_126 : memref<128x128xf32, #tpu.memory_space<hbm>>) target_semaphore(%run_scoped3A_118 : memref<!tpu.dma_semaphore, #tpu.memory_space<semaphore_mem>>)
      %dma_wait3A_127 = arith.constant 0 : i32
      %dma_wait3A_128 = arith.constant 0 : i32
      %dma_wait3A_129 = tpu.memref_slice %arg6[%add3A, %run_scoped3A_116, %dma_wait3A_127, %dma_wait3A_128] : memref<32x4x128x128xf32, #tpu.memory_space<hbm>> -> memref<1x1x128x128xf32, #tpu.memory_space<hbm>>
      %dma_wait3A_130 = tpu.memref_squeeze %dma_wait3A_129 : memref<1x1x128x128xf32, #tpu.memory_space<hbm>> -> memref<128x128xf32, #tpu.memory_space<hbm>>
      %dma_wait3A_131 = arith.constant 0 : i32
      %dma_wait3A_132 = arith.constant 0 : i32
      %dma_wait3A_133 = tpu.memref_slice %arg6[%add3A, %run_scoped3A_116, %dma_wait3A_131, %dma_wait3A_132] : memref<32x4x128x128xf32, #tpu.memory_space<hbm>> -> memref<1x1x128x128xf32, #tpu.memory_space<hbm>>
      %dma_wait3A_134 = tpu.memref_squeeze %dma_wait3A_133 : memref<1x1x128x128xf32, #tpu.memory_space<hbm>> -> memref<128x128xf32, #tpu.memory_space<hbm>>
      tpu.wait_dma2 semaphore(%run_scoped3A_118 : memref<!tpu.dma_semaphore, #tpu.memory_space<semaphore_mem>>) src(%arg10 : memref<128x128xf32, #tpu.memory_space<vmem>>) dst(%dma_wait3A_134 : memref<128x128xf32, #tpu.memory_space<hbm>>)
      tpu.yield
    }) : () -> ()
    %run_scoped3A_117 = arith.constant 3 : i32
    "tpu.region"() ({
      %run_scoped3A_118 = tpu.sem_alloc : memref<!tpu.dma_semaphore, #tpu.memory_space<semaphore_mem>>
      %dma_start3A_119 = arith.constant 0 : i32
      %dma_start3A_120 = arith.constant 0 : i32
      %dma_start3A_121 = tpu.memref_slice %arg7[%add3A, %run_scoped3A_117, %dma_start3A_119, %dma_start3A_120] : memref<32x4x128x128xf32, #tpu.memory_space<hbm>> -> memref<1x1x128x128xf32, #tpu.memory_space<hbm>>
      %dma_start3A_122 = tpu.memref_squeeze %dma_start3A_121 : memref<1x1x128x128xf32, #tpu.memory_space<hbm>> -> memref<128x128xf32, #tpu.memory_space<hbm>>
      %dma_start3A_123 = arith.constant 0 : i32
      %dma_start3A_124 = arith.constant 0 : i32
      %dma_start3A_125 = tpu.memref_slice %arg7[%add3A, %run_scoped3A_117, %dma_start3A_123, %dma_start3A_124] : memref<32x4x128x128xf32, #tpu.memory_space<hbm>> -> memref<1x1x128x128xf32, #tpu.memory_space<hbm>>
      %dma_start3A_126 = tpu.memref_squeeze %dma_start3A_125 : memref<1x1x128x128xf32, #tpu.memory_space<hbm>> -> memref<128x128xf32, #tpu.memory_space<hbm>>
      tpu.enqueue_dma source(%arg11 : memref<128x128xf32, #tpu.memory_space<vmem>>) target(%dma_start3A_126 : memref<128x128xf32, #tpu.memory_space<hbm>>) target_semaphore(%run_scoped3A_118 : memref<!tpu.dma_semaphore, #tpu.memory_space<semaphore_mem>>)
      %dma_wait3A_127 = arith.constant 0 : i32
      %dma_wait3A_128 = arith.constant 0 : i32
      %dma_wait3A_129 = tpu.memref_slice %arg7[%add3A, %run_scoped3A_117, %dma_wait3A_127, %dma_wait3A_128] : memref<32x4x128x128xf32, #tpu.memory_space<hbm>> -> memref<1x1x128x128xf32, #tpu.memory_space<hbm>>
      %dma_wait3A_130 = tpu.memref_squeeze %dma_wait3A_129 : memref<1x1x128x128xf32, #tpu.memory_space<hbm>> -> memref<128x128xf32, #tpu.memory_space<hbm>>
      %dma_wait3A_131 = arith.constant 0 : i32
      %dma_wait3A_132 = arith.constant 0 : i32
      %dma_wait3A_133 = tpu.memref_slice %arg7[%add3A, %run_scoped3A_117, %dma_wait3A_131, %dma_wait3A_132] : memref<32x4x128x128xf32, #tpu.memory_space<hbm>> -> memref<1x1x128x128xf32, #tpu.memory_space<hbm>>
      %dma_wait3A_134 = tpu.memref_squeeze %dma_wait3A_133 : memref<1x1x128x128xf32, #tpu.memory_space<hbm>> -> memref<128x128xf32, #tpu.memory_space<hbm>>
      tpu.wait_dma2 semaphore(%run_scoped3A_118 : memref<!tpu.dma_semaphore, #tpu.memory_space<semaphore_mem>>) src(%arg11 : memref<128x128xf32, #tpu.memory_space<vmem>>) dst(%dma_wait3A_134 : memref<128x128xf32, #tpu.memory_space<hbm>>)
      tpu.yield
    }) : () -> ()
    return
  }
}

module attributes {stable_mosaic.version = 14 : i64} {
  func.func @_detile_body(%arg0: i32, %arg1: memref<32x8192xf32, #tpu.memory_space<vmem>>, %arg2: memref<32x8192xf32, #tpu.memory_space<vmem>>, %arg3: memref<2048x128xf32, #tpu.memory_space<vmem>>, %arg4: memref<2048x128xf32, #tpu.memory_space<vmem>>) attributes {dimension_semantics = [#tpu.dimension_semantics<arbitrary>], iteration_bounds = array<i64: 123>, scalar_prefetch = 0 : i64, scratch_operands = 0 : i64, tpu.core_type = #tpu.core_type<tc>, window_params = [{transform_indices = @transform_0, window_bounds = array<i64: 32, 8192>}, {transform_indices = @transform_1, window_bounds = array<i64: 32, 8192>}, {transform_indices = @transform_2, window_bounds = array<i64: 2048, 128>}, {transform_indices = @transform_3, window_bounds = array<i64: 2048, 128>}]} {
    %iota3A = tpu.iota {dimensions = array<i32: 0>} : vector<32x32xi32>
    %iota3A_0 = tpu.iota {dimensions = array<i32: 1>} : vector<32x32xi32>
    %add3A = arith.constant 0 : i32
    %add3A_1 = vector.broadcast %add3A : i32 to vector<32x32xi32>
    %add3A_2 = arith.addi %iota3A, %add3A_1 : vector<32x32xi32>
    %eq3A = arith.cmpi eq, %add3A_2, %iota3A_0 : vector<32x32xi32>
    %convert_element_type3A = arith.extui %eq3A : vector<32x32xi1> to vector<32x32xi32>
    %convert_element_type3A_3 = arith.sitofp %convert_element_type3A : vector<32x32xi32> to vector<32x32xf32>
    %get3A = arith.constant 0 : index
    %get3A_4 = arith.constant 0 : index
    %get3A_5 = vector.load %arg1[%get3A, %get3A_4] : memref<32x8192xf32, #tpu.memory_space<vmem>>, vector<32x8192xf32>
    %dot_general3A = arith.constant dense<0.000000e+00> : vector<8192x32xf32>
    %dot_general3A_6 = tpu.matmul %get3A_5, %convert_element_type3A_3, %dot_general3A {dimension_numbers = #tpu.dot_dimension_numbers<[0], [0], [1], [1], [0, 1, 1, 1], [], []>, transpose_lhs_hint = false} : vector<32x8192xf32>, vector<32x32xf32>, vector<8192x32xf32> -> vector<8192x32xf32>
    %slice3A = vector.extract_strided_slice %dot_general3A_6 {offsets = [0, 0], sizes = [2048, 32], strides = [1, 1]} : vector<8192x32xf32> to vector<2048x32xf32>
    %slice3A_7 = vector.extract_strided_slice %dot_general3A_6 {offsets = [2048, 0], sizes = [2048, 32], strides = [1, 1]} : vector<8192x32xf32> to vector<2048x32xf32>
    %slice3A_8 = vector.extract_strided_slice %dot_general3A_6 {offsets = [4096, 0], sizes = [2048, 32], strides = [1, 1]} : vector<8192x32xf32> to vector<2048x32xf32>
    %slice3A_9 = vector.extract_strided_slice %dot_general3A_6 {offsets = [6144, 0], sizes = [2048, 32], strides = [1, 1]} : vector<8192x32xf32> to vector<2048x32xf32>
    %concatenate3A = tpu.concatenate %slice3A, %slice3A_7, %slice3A_8, %slice3A_9 in 1 : vector<2048x32xf32>, vector<2048x32xf32>, vector<2048x32xf32>, vector<2048x32xf32> -> vector<2048x128xf32>
    %swap3A = arith.constant 0 : index
    %swap3A_10 = arith.constant 0 : index
    %swap3A_11 = vector.load %arg3[%swap3A, %swap3A_10] : memref<2048x128xf32, #tpu.memory_space<vmem>>, vector<2048x128xf32>
    tpu.vector_store %arg3[%swap3A, %swap3A_10], %concatenate3A {strides = array<i32>} : memref<2048x128xf32, #tpu.memory_space<vmem>>, vector<2048x128xf32>,
    %get3A_12 = arith.constant 0 : index
    %get3A_13 = arith.constant 0 : index
    %get3A_14 = vector.load %arg2[%get3A_12, %get3A_13] : memref<32x8192xf32, #tpu.memory_space<vmem>>, vector<32x8192xf32>
    %dot_general3A_15 = arith.constant dense<0.000000e+00> : vector<8192x32xf32>
    %dot_general3A_16 = tpu.matmul %get3A_14, %convert_element_type3A_3, %dot_general3A_15 {dimension_numbers = #tpu.dot_dimension_numbers<[0], [0], [1], [1], [0, 1, 1, 1], [], []>, transpose_lhs_hint = false} : vector<32x8192xf32>, vector<32x32xf32>, vector<8192x32xf32> -> vector<8192x32xf32>
    %slice3A_17 = vector.extract_strided_slice %dot_general3A_16 {offsets = [0, 0], sizes = [2048, 32], strides = [1, 1]} : vector<8192x32xf32> to vector<2048x32xf32>
    %slice3A_18 = vector.extract_strided_slice %dot_general3A_16 {offsets = [2048, 0], sizes = [2048, 32], strides = [1, 1]} : vector<8192x32xf32> to vector<2048x32xf32>
    %slice3A_19 = vector.extract_strided_slice %dot_general3A_16 {offsets = [4096, 0], sizes = [2048, 32], strides = [1, 1]} : vector<8192x32xf32> to vector<2048x32xf32>
    %slice3A_20 = vector.extract_strided_slice %dot_general3A_16 {offsets = [6144, 0], sizes = [2048, 32], strides = [1, 1]} : vector<8192x32xf32> to vector<2048x32xf32>
    %concatenate3A_21 = tpu.concatenate %slice3A_17, %slice3A_18, %slice3A_19, %slice3A_20 in 1 : vector<2048x32xf32>, vector<2048x32xf32>, vector<2048x32xf32>, vector<2048x32xf32> -> vector<2048x128xf32>
    %swap3A_22 = arith.constant 0 : index
    %swap3A_23 = arith.constant 0 : index
    %swap3A_24 = vector.load %arg4[%swap3A_22, %swap3A_23] : memref<2048x128xf32, #tpu.memory_space<vmem>>, vector<2048x128xf32>
    tpu.vector_store %arg4[%swap3A_22, %swap3A_23], %concatenate3A_21 {strides = array<i32>} : memref<2048x128xf32, #tpu.memory_space<vmem>>, vector<2048x128xf32>,
    return
  }
  func.func @transform_0(%arg0: i32) -> (i32, i32) {
    %c0_i32 = arith.constant 0 : i32
    %c0_i32_0 = arith.constant 0 : i32
    return %c0_i32, %arg0 : i32, i32
  }
  func.func @transform_1(%arg0: i32) -> (i32, i32) {
    %c0_i32 = arith.constant 0 : i32
    %c0_i32_0 = arith.constant 0 : i32
    return %c0_i32, %arg0 : i32, i32
  }
  func.func @transform_2(%arg0: i32) -> (i32, i32) {
    %c0_i32 = arith.constant 0 : i32
    %c0_i32_0 = arith.constant 0 : i32
    return %arg0, %c0_i32 : i32, i32
  }
  func.func @transform_3(%arg0: i32) -> (i32, i32) {
    %c0_i32 = arith.constant 0 : i32
    %c0_i32_0 = arith.constant 0 : i32
    return %arg0, %c0_i32 : i32, i32
  }
}

module attributes {stable_mosaic.version = 14 : i64} {
  func.func @_finish_body(%arg0: i32, %arg1: memref<2048x128xf32, #tpu.memory_space<vmem>>, %arg2: memref<2048x128xf32, #tpu.memory_space<vmem>>, %arg3: memref<2048x1xi32, #tpu.memory_space<vmem>>, %arg4: memref<2048x1xi32, #tpu.memory_space<vmem>>, %arg5: memref<2048x1xf32, #tpu.memory_space<vmem>>, %arg6: memref<1x32xf32, #tpu.memory_space<vmem>>, %arg7: memref<1x1xf32, #tpu.memory_space<vmem>>, %arg8: memref<2048x1xf32, #tpu.memory_space<vmem>>, %arg9: memref<1x1xf32, #tpu.memory_space<vmem>>) attributes {dimension_semantics = [#tpu.dimension_semantics<arbitrary>], iteration_bounds = array<i64: 8>, scalar_prefetch = 0 : i64, scratch_operands = 0 : i64, tpu.core_type = #tpu.core_type<tc>, window_params = [{transform_indices = @transform_0, window_bounds = array<i64: 2048, 128>}, {transform_indices = @transform_1, window_bounds = array<i64: 2048, 128>}, {transform_indices = @transform_2, window_bounds = array<i64: 2048, 1>}, {transform_indices = @transform_3, window_bounds = array<i64: 2048, 1>}, {transform_indices = @transform_4, window_bounds = array<i64: 2048, 1>}, {pipeline_mode = #tpu.pipeline_mode<synchronous>, transform_indices = @transform_5, window_bounds = array<i64: 1, 32>}, {pipeline_mode = #tpu.pipeline_mode<synchronous>, transform_indices = @transform_6, window_bounds = array<i64: 1, 1>}, {transform_indices = @transform_7, window_bounds = array<i64: 2048, 1>}, {pipeline_mode = #tpu.pipeline_mode<synchronous>, transform_indices = @transform_8, window_bounds = array<i64: 1, 1>}]} {
    %get3A = arith.constant 0 : index
    %get3A_0 = arith.constant 0 : index
    %get3A_1 = vector.load %arg3[%get3A, %get3A_0] : memref<2048x1xi32, #tpu.memory_space<vmem>>, vector<2048x1xi32>
    %get3A_2 = arith.constant 0 : index
    %get3A_3 = arith.constant 0 : index
    %get3A_4 = vector.load %arg4[%get3A_2, %get3A_3] : memref<2048x1xi32, #tpu.memory_space<vmem>>, vector<2048x1xi32>
    %broadcast_in_dim3A = arith.constant 0.000000e+00 : f32
    %broadcast_in_dim3A_5 = vector.broadcast %broadcast_in_dim3A : f32 to vector<2048x32xf32>
    %broadcast_in_dim3A_6 = arith.constant 0.000000e+00 : f32
    %broadcast_in_dim3A_7 = vector.broadcast %broadcast_in_dim3A_6 : f32 to vector<2048x32xf32>
    %eq3A = arith.constant 0 : i32
    %eq3A_8 = vector.broadcast %eq3A : i32 to vector<2048x1xi32>
    %eq3A_9 = arith.cmpi eq, %get3A_1, %eq3A_8 : vector<2048x1xi32>
    %get3A_10 = arith.constant 0 : index
    %get3A_11 = arith.constant 0 : index
    %get3A_12 = vector.load %arg1[%get3A_10, %get3A_11] : memref<2048x128xf32, #tpu.memory_space<vmem>>, vector<2048x32xf32>
    %jit3A = arith.constant 0.000000e+00 : f32
    %broadcast_in_dim3A_13 = vector.shape_cast %eq3A_9 : vector<2048x1xi1> to vector<2048x1xi1>
    %broadcast_in_dim3A_14 = vector.broadcast %broadcast_in_dim3A_13 : vector<2048x1xi1> to vector<2048x32xi1>
    %broadcast_in_dim3A_15 = vector.broadcast %jit3A : f32 to vector<2048x32xf32>
    %select_n3A = arith.select %broadcast_in_dim3A_14, %get3A_12, %broadcast_in_dim3A_15 : vector<2048x32xi1>, vector<2048x32xf32>
    %add3A = arith.addf %broadcast_in_dim3A_5, %select_n3A : vector<2048x32xf32>
    %eq3A_16 = arith.constant 0 : i32
    %eq3A_17 = vector.broadcast %eq3A_16 : i32 to vector<2048x1xi32>
    %eq3A_18 = arith.cmpi eq, %get3A_4, %eq3A_17 : vector<2048x1xi32>
    %get3A_19 = arith.constant 0 : index
    %get3A_20 = arith.constant 0 : index
    %get3A_21 = vector.load %arg2[%get3A_19, %get3A_20] : memref<2048x128xf32, #tpu.memory_space<vmem>>, vector<2048x32xf32>
    %jit3A_22 = arith.constant 0.000000e+00 : f32
    %broadcast_in_dim3A_23 = vector.shape_cast %eq3A_18 : vector<2048x1xi1> to vector<2048x1xi1>
    %broadcast_in_dim3A_24 = vector.broadcast %broadcast_in_dim3A_23 : vector<2048x1xi1> to vector<2048x32xi1>
    %broadcast_in_dim3A_25 = vector.broadcast %jit3A_22 : f32 to vector<2048x32xf32>
    %select_n3A_26 = arith.select %broadcast_in_dim3A_24, %get3A_21, %broadcast_in_dim3A_25 : vector<2048x32xi1>, vector<2048x32xf32>
    %add3A_27 = arith.addf %broadcast_in_dim3A_7, %select_n3A_26 : vector<2048x32xf32>
    %eq3A_28 = arith.constant 1 : i32
    %eq3A_29 = vector.broadcast %eq3A_28 : i32 to vector<2048x1xi32>
    %eq3A_30 = arith.cmpi eq, %get3A_1, %eq3A_29 : vector<2048x1xi32>
    %get3A_31 = arith.constant 0 : index
    %get3A_32 = arith.constant 32 : index
    %get3A_33 = vector.load %arg1[%get3A_31, %get3A_32] : memref<2048x128xf32, #tpu.memory_space<vmem>>, vector<2048x32xf32>
    %jit3A_34 = arith.constant 0.000000e+00 : f32
    %broadcast_in_dim3A_35 = vector.shape_cast %eq3A_30 : vector<2048x1xi1> to vector<2048x1xi1>
    %broadcast_in_dim3A_36 = vector.broadcast %broadcast_in_dim3A_35 : vector<2048x1xi1> to vector<2048x32xi1>
    %broadcast_in_dim3A_37 = vector.broadcast %jit3A_34 : f32 to vector<2048x32xf32>
    %select_n3A_38 = arith.select %broadcast_in_dim3A_36, %get3A_33, %broadcast_in_dim3A_37 : vector<2048x32xi1>, vector<2048x32xf32>
    %add3A_39 = arith.addf %add3A, %select_n3A_38 : vector<2048x32xf32>
    %eq3A_40 = arith.constant 1 : i32
    %eq3A_41 = vector.broadcast %eq3A_40 : i32 to vector<2048x1xi32>
    %eq3A_42 = arith.cmpi eq, %get3A_4, %eq3A_41 : vector<2048x1xi32>
    %get3A_43 = arith.constant 0 : index
    %get3A_44 = arith.constant 32 : index
    %get3A_45 = vector.load %arg2[%get3A_43, %get3A_44] : memref<2048x128xf32, #tpu.memory_space<vmem>>, vector<2048x32xf32>
    %jit3A_46 = arith.constant 0.000000e+00 : f32
    %broadcast_in_dim3A_47 = vector.shape_cast %eq3A_42 : vector<2048x1xi1> to vector<2048x1xi1>
    %broadcast_in_dim3A_48 = vector.broadcast %broadcast_in_dim3A_47 : vector<2048x1xi1> to vector<2048x32xi1>
    %broadcast_in_dim3A_49 = vector.broadcast %jit3A_46 : f32 to vector<2048x32xf32>
    %select_n3A_50 = arith.select %broadcast_in_dim3A_48, %get3A_45, %broadcast_in_dim3A_49 : vector<2048x32xi1>, vector<2048x32xf32>
    %add3A_51 = arith.addf %add3A_27, %select_n3A_50 : vector<2048x32xf32>
    %eq3A_52 = arith.constant 2 : i32
    %eq3A_53 = vector.broadcast %eq3A_52 : i32 to vector<2048x1xi32>
    %eq3A_54 = arith.cmpi eq, %get3A_1, %eq3A_53 : vector<2048x1xi32>
    %get3A_55 = arith.constant 0 : index
    %get3A_56 = arith.constant 64 : index
    %get3A_57 = vector.load %arg1[%get3A_55, %get3A_56] : memref<2048x128xf32, #tpu.memory_space<vmem>>, vector<2048x32xf32>
    %jit3A_58 = arith.constant 0.000000e+00 : f32
    %broadcast_in_dim3A_59 = vector.shape_cast %eq3A_54 : vector<2048x1xi1> to vector<2048x1xi1>
    %broadcast_in_dim3A_60 = vector.broadcast %broadcast_in_dim3A_59 : vector<2048x1xi1> to vector<2048x32xi1>
    %broadcast_in_dim3A_61 = vector.broadcast %jit3A_58 : f32 to vector<2048x32xf32>
    %select_n3A_62 = arith.select %broadcast_in_dim3A_60, %get3A_57, %broadcast_in_dim3A_61 : vector<2048x32xi1>, vector<2048x32xf32>
    %add3A_63 = arith.addf %add3A_39, %select_n3A_62 : vector<2048x32xf32>
    %eq3A_64 = arith.constant 2 : i32
    %eq3A_65 = vector.broadcast %eq3A_64 : i32 to vector<2048x1xi32>
    %eq3A_66 = arith.cmpi eq, %get3A_4, %eq3A_65 : vector<2048x1xi32>
    %get3A_67 = arith.constant 0 : index
    %get3A_68 = arith.constant 64 : index
    %get3A_69 = vector.load %arg2[%get3A_67, %get3A_68] : memref<2048x128xf32, #tpu.memory_space<vmem>>, vector<2048x32xf32>
    %jit3A_70 = arith.constant 0.000000e+00 : f32
    %broadcast_in_dim3A_71 = vector.shape_cast %eq3A_66 : vector<2048x1xi1> to vector<2048x1xi1>
    %broadcast_in_dim3A_72 = vector.broadcast %broadcast_in_dim3A_71 : vector<2048x1xi1> to vector<2048x32xi1>
    %broadcast_in_dim3A_73 = vector.broadcast %jit3A_70 : f32 to vector<2048x32xf32>
    %select_n3A_74 = arith.select %broadcast_in_dim3A_72, %get3A_69, %broadcast_in_dim3A_73 : vector<2048x32xi1>, vector<2048x32xf32>
    %add3A_75 = arith.addf %add3A_51, %select_n3A_74 : vector<2048x32xf32>
    %eq3A_76 = arith.constant 3 : i32
    %eq3A_77 = vector.broadcast %eq3A_76 : i32 to vector<2048x1xi32>
    %eq3A_78 = arith.cmpi eq, %get3A_1, %eq3A_77 : vector<2048x1xi32>
    %get3A_79 = arith.constant 0 : index
    %get3A_80 = arith.constant 96 : index
    %get3A_81 = vector.load %arg1[%get3A_79, %get3A_80] : memref<2048x128xf32, #tpu.memory_space<vmem>>, vector<2048x32xf32>
    %jit3A_82 = arith.constant 0.000000e+00 : f32
    %broadcast_in_dim3A_83 = vector.shape_cast %eq3A_78 : vector<2048x1xi1> to vector<2048x1xi1>
    %broadcast_in_dim3A_84 = vector.broadcast %broadcast_in_dim3A_83 : vector<2048x1xi1> to vector<2048x32xi1>
    %broadcast_in_dim3A_85 = vector.broadcast %jit3A_82 : f32 to vector<2048x32xf32>
    %select_n3A_86 = arith.select %broadcast_in_dim3A_84, %get3A_81, %broadcast_in_dim3A_85 : vector<2048x32xi1>, vector<2048x32xf32>
    %add3A_87 = arith.addf %add3A_63, %select_n3A_86 : vector<2048x32xf32>
    %eq3A_88 = arith.constant 3 : i32
    %eq3A_89 = vector.broadcast %eq3A_88 : i32 to vector<2048x1xi32>
    %eq3A_90 = arith.cmpi eq, %get3A_4, %eq3A_89 : vector<2048x1xi32>
    %get3A_91 = arith.constant 0 : index
    %get3A_92 = arith.constant 96 : index
    %get3A_93 = vector.load %arg2[%get3A_91, %get3A_92] : memref<2048x128xf32, #tpu.memory_space<vmem>>, vector<2048x32xf32>
    %jit3A_94 = arith.constant 0.000000e+00 : f32
    %broadcast_in_dim3A_95 = vector.shape_cast %eq3A_90 : vector<2048x1xi1> to vector<2048x1xi1>
    %broadcast_in_dim3A_96 = vector.broadcast %broadcast_in_dim3A_95 : vector<2048x1xi1> to vector<2048x32xi1>
    %broadcast_in_dim3A_97 = vector.broadcast %jit3A_94 : f32 to vector<2048x32xf32>
    %select_n3A_98 = arith.select %broadcast_in_dim3A_96, %get3A_93, %broadcast_in_dim3A_97 : vector<2048x32xi1>, vector<2048x32xf32>
    %add3A_99 = arith.addf %add3A_75, %select_n3A_98 : vector<2048x32xf32>
    %mul3A = arith.mulf %add3A_87, %add3A_99 : vector<2048x32xf32>
    %get3A_100 = arith.constant 0 : index
    %get3A_101 = arith.constant 0 : index
    %get3A_102 = vector.load %arg6[%get3A_100, %get3A_101] : memref<1x32xf32, #tpu.memory_space<vmem>>, vector<1x32xf32>
    %mul3A_103 = vector.broadcast %get3A_102 : vector<1x32xf32> to vector<2048x32xf32>
    %mul3A_104 = arith.mulf %mul3A, %mul3A_103 : vector<2048x32xf32>
    %reduce_sum3A = arith.constant dense<0.000000e+00> : vector<2048xf32>
    %reduce_sum3A_105 = vector.multi_reduction <add>, %mul3A_104, %reduce_sum3A [1] : vector<2048x32xf32> to vector<2048xf32>
    %broadcast_in_dim3A_106 = vector.shape_cast %reduce_sum3A_105 : vector<2048xf32> to vector<2048x1xf32>
    %get3A_107 = arith.constant 0 : index
    %get3A_108 = arith.constant 0 : index
    %get3A_109 = vector.load %arg7[%get3A_107, %get3A_108] : memref<1x1xf32, #tpu.memory_space<vmem>>, vector<1x1xf32>
    %get3A_110 = vector.extract %get3A_109[0, 0] : f32 from vector<1x1xf32>
    %add3A_111 = vector.broadcast %get3A_110 : f32 to vector<2048x1xf32>
    %add3A_112 = arith.addf %broadcast_in_dim3A_106, %add3A_111 : vector<2048x1xf32>
    %swap3A = arith.constant 0 : index
    %swap3A_113 = arith.constant 0 : index
    %swap3A_114 = vector.load %arg8[%swap3A, %swap3A_113] : memref<2048x1xf32, #tpu.memory_space<vmem>>, vector<2048x1xf32>
    tpu.vector_store %arg8[%swap3A, %swap3A_113], %add3A_112 {strides = array<i32>} : memref<2048x1xf32, #tpu.memory_space<vmem>>, vector<2048x1xf32>,
    %get3A_115 = arith.constant 0 : index
    %get3A_116 = arith.constant 0 : index
    %get3A_117 = vector.load %arg5[%get3A_115, %get3A_116] : memref<2048x1xf32, #tpu.memory_space<vmem>>, vector<2048x1xf32>
    %sub3A = arith.subf %add3A_112, %get3A_117 : vector<2048x1xf32>
    %mul3A_118 = arith.mulf %sub3A, %sub3A : vector<2048x1xf32>
    %reduce_sum3A_119 = vector.shape_cast %mul3A_118 : vector<2048x1xf32> to vector<1x2048x1xf32>
    %reduce_sum3A_120 = arith.constant dense<0.000000e+00> : vector<1xf32>
    %reduce_sum3A_121 = vector.multi_reduction <add>, %reduce_sum3A_119, %reduce_sum3A_120 [1, 2] : vector<1x2048x1xf32> to vector<1xf32>
    %reduce_sum3A_122 = vector.shape_cast %reduce_sum3A_121 : vector<1xf32> to vector<1x1x1xf32>
    %reduce_sum3A_123 = vector.extract %reduce_sum3A_122[0, 0, 0] : f32 from vector<1x1x1xf32>
    %mul3A_124 = arith.constant 6.10351563E-5 : f32
    %mul3A_125 = arith.mulf %reduce_sum3A_123, %mul3A_124 : f32
    %reshape3A = vector.broadcast %mul3A_125 : f32 to vector<1x1xf32>
    %eq3A_126 = arith.constant 0 : i32
    %eq3A_127 = arith.cmpi eq, %arg0, %eq3A_126 : i32
    %convert_element_type3A = arith.extui %eq3A_127 : i1 to i32
    %cond3A = arith.constant 0 : i32
    %cond3A_128 = arith.cmpi ne, %convert_element_type3A, %cond3A : i32
    scf.if %cond3A_128 {
      %swap3A_133 = arith.constant 0 : index
      %swap3A_134 = arith.constant 0 : index
      %swap3A_135 = vector.load %arg9[%swap3A_133, %swap3A_134] : memref<1x1xf32, #tpu.memory_space<vmem>>, vector<1x1xf32>
      tpu.vector_store %arg9[%swap3A_133, %swap3A_134], %reshape3A {strides = array<i32>} : memref<1x1xf32, #tpu.memory_space<vmem>>, vector<1x1xf32>,
    } else {
    }
    %ne3A = arith.constant 0 : i32
    %ne3A_129 = arith.cmpi ne, %arg0, %ne3A : i32
    %convert_element_type3A_130 = arith.extui %ne3A_129 : i1 to i32
    %cond3A_131 = arith.constant 0 : i32
    %cond3A_132 = arith.cmpi ne, %convert_element_type3A_130, %cond3A_131 : i32
    scf.if %cond3A_132 {
      %get3A_133 = arith.constant 0 : index
      %get3A_134 = arith.constant 0 : index
      %get3A_135 = vector.load %arg9[%get3A_133, %get3A_134] : memref<1x1xf32, #tpu.memory_space<vmem>>, vector<1x1xf32>
      %add3A_136 = arith.addf %get3A_135, %reshape3A : vector<1x1xf32>
      %swap3A_137 = arith.constant 0 : index
      %swap3A_138 = arith.constant 0 : index
      %swap3A_139 = vector.load %arg9[%swap3A_137, %swap3A_138] : memref<1x1xf32, #tpu.memory_space<vmem>>, vector<1x1xf32>
      tpu.vector_store %arg9[%swap3A_137, %swap3A_138], %add3A_136 {strides = array<i32>} : memref<1x1xf32, #tpu.memory_space<vmem>>, vector<1x1xf32>,
    } else {
    }
    return
  }
  func.func @transform_0(%arg0: i32) -> (i32, i32) {
    %c0_i32 = arith.constant 0 : i32
    %c0_i32_0 = arith.constant 0 : i32
    return %arg0, %c0_i32 : i32, i32
  }
  func.func @transform_1(%arg0: i32) -> (i32, i32) {
    %c0_i32 = arith.constant 0 : i32
    %c0_i32_0 = arith.constant 0 : i32
    return %arg0, %c0_i32 : i32, i32
  }
  func.func @transform_2(%arg0: i32) -> (i32, i32) {
    %c0_i32 = arith.constant 0 : i32
    %c0_i32_0 = arith.constant 0 : i32
    return %arg0, %c0_i32 : i32, i32
  }
  func.func @transform_3(%arg0: i32) -> (i32, i32) {
    %c0_i32 = arith.constant 0 : i32
    %c0_i32_0 = arith.constant 0 : i32
    return %arg0, %c0_i32 : i32, i32
  }
  func.func @transform_4(%arg0: i32) -> (i32, i32) {
    %c0_i32 = arith.constant 0 : i32
    %c0_i32_0 = arith.constant 0 : i32
    return %arg0, %c0_i32 : i32, i32
  }
  func.func @transform_5(%arg0: i32) -> (i32, i32) {
    %c0_i32 = arith.constant 0 : i32
    %c0_i32_0 = arith.constant 0 : i32
    %c0_i32_1 = arith.constant 0 : i32
    return %c0_i32, %c0_i32_0 : i32, i32
  }
  func.func @transform_6(%arg0: i32) -> (i32, i32) {
    %c0_i32 = arith.constant 0 : i32
    %c0_i32_0 = arith.constant 0 : i32
    %c0_i32_1 = arith.constant 0 : i32
    return %c0_i32, %c0_i32_0 : i32, i32
  }
  func.func @transform_7(%arg0: i32) -> (i32, i32) {
    %c0_i32 = arith.constant 0 : i32
    %c0_i32_0 = arith.constant 0 : i32
    return %arg0, %c0_i32 : i32, i32
  }
  func.func @transform_8(%arg0: i32) -> (i32, i32) {
    %c0_i32 = arith.constant 0 : i32
    %c0_i32_0 = arith.constant 0 : i32
    %c0_i32_1 = arith.constant 0 : i32
    return %c0_i32, %c0_i32_0 : i32, i32
  }
}

</mosaic_0001>

<sc_bundles>
// kernel: kernel.5.cloned.1.call-start
scs
__scs_entry_jumppad:
0x0: {  	(pc) =	sbr.rel $0x88, $3  }
0x1: {  	(tag) =	ssettag $0x0;
	lr =	simm.s32 $0x1  }
0x2: {  	[smem:$0x3F9A] =	sst lr;
	_ =	strace $0xD0000000  }
0x3: {  	_ = 	snop  }
0x4: {  	_ = 	snop  }
0x5: {  	_ = 	snop  }
0x6: {  	_ = 	snop  }
0x7: {  	_ = 	snop  }
__scs_overlays_trampoline_lowered:
0x8: {  	[smem:$0x3FA9] =	sst s0  }
0x9: {  	[smem:$0x3FAA] =	sst s1  }
0xa: {  	[smem:$0x3FAB] =	sst s2  }
0xb: {  	[smem:$0x3FAC] =	sst s3  }
0xc: {  	[smem:$0x3FAD] =	sst s4  }
0xd: {  	[smem:$0x3FAE] =	sst s5  }
0xe: {  	[smem:$0x3FAF] =	sst s6  }
0xf: {  	[smem:$0x3FB0] =	sst s7  }
0x10: {  	[smem:$0x3FB1] =	sst s8  }
0x11: {  	[smem:$0x3FB2] =	sst s9;
	s0 =	simm.s32 @!p0 $0x0  }
0x12: {  	s1 =	sld [smem:$0x3F98];
	s0 =	simm.s32 @p0 $0x1  }
0x13: {  	[smem:$0x3FB3] =	sst s0;
	s0 =	simm.s32 @!p1 $0x0  }
0x14: {  	s2 =	sld [smem:$0x3F97];
	s0 =	simm.s32 @p1 $0x1  }
0x15: {  	[smem:$0x3FB4] =	sst s0;
	s0 =	simm.s32 @!p2 $0x0  }
0x16: {  	s3 =	sld [smem:$0x3FDB];
	s0 =	simm.s32 @p2 $0x1  }
0x17: {  	s4 =	simm.s32 $0x1BF5;
	[smem:$0x3FB6] =	sst s0  }
0x18: {  	s0 =	sld [smem:$0x3F99];
	_ =	swait.ge [sflag:s4], $0x0  }
0x19: {  	s7 =	sld [smem:$0x3F9A]  }
0x1a: {  	s8 =	sadd.s32 $0xFFFFE003, lr  }
0x1b: {  	s9 =	sadd.s32 $0xFFFFFEF7, lr;
	s5 =	simm.s32 $0xFFFFFFFF;
	p2 =	slt.u32 s8, $0xFFFFF086  }
0x1c: {  	p1 =	slt.u32 s9, $0xF7A;
	s5 =	simm.s32 @!p2 $0x0  }
0x1d: {  	s5 =	simm.s32 @p1 $0x1;
	p0 =	seq.s32 s7, s2  }
0x1e: {  	s7 =	smul.u32 @!p0 $0xF7A, s2;
	p2 =	seq.s32 @!p0 s5, $0x0  }
0x1f: {  	s9 =	smul.u32 $0xF7A, s1;
	s8 =	simm.s32 @!p0 $0x1BF5;
	p2 =	por !p2, p0  }
0x20: {  	[sflag:s8] =	ssyncset.s32 @!p0 $0xFFFFF086;
	s6 =	sadd.s32 @!p0 s3, s7;
	s7 =	simm.s32 @!p0 $0x108  }
0x21: {  	s3 =	sadd.s32 s3, s9;
	s6 =	sadd.s32 @!p0 $0x88, s6;
	s7 =	simm.s32 @p2 $0x1082  }
0x22: {  	[simem:s7], [sflag:s8] =	dma.local @!p0 [hbm:s6], $0xF7A  }
0x23: {  	s9 =	sor.u32 $0xD0000000, s2;
	s6 =	simm.s32 $0x108;
	_ =	swait.ge @!p0 [sflag:s8], $0x0  }
0x24: {  	s3 =	sadd.s32 $0x88, s3;
	s6 =	simm.s32 @!p1 $0x1082;
	[sflag:s4] =	ssyncset.s32 $0xFFFFF086  }
0x25: {  	[simem:s6], [sflag:s4] =	dma.local [hbm:s3], $0xF7A  }
0x26: {  	[smem:$0x3F9A] =	sst s1;
	(tag) =	ssettag s2;
	_ =	strace s9  }
0x27: {  	s1 =	sld [smem:$0x3FAA]  }
0x28: {  	s2 =	sld [smem:$0x3FAB]  }
0x29: {  	s4 =	sld [smem:$0x3FAD]  }
0x2a: {  	p0 =	seq.s32 s5, $0x0;
	s5 =	sld [smem:$0x3FAE]  }
0x2b: {  	s6 =	sld [smem:$0x3FAF]  }
0x2c: {  	s7 =	sld [smem:$0x3FB0]  }
0x2d: {  	s3 =	simm.s32 $0x108;
	s8 =	sld [smem:$0x3FB1]  }
0x2e: {  	s3 =	simm.s32 @!p0 $0x1082;
	s9 =	sld [smem:$0x3FB2]  }
0x2f: {  	lr =	sadd.s32 s0, s3;
	s0 =	sld [smem:$0x3FA9]  }
0x30: {  	s3 =	sld [smem:$0x3FAC]  }
0x31: {  	[smem:$0x3FB5] =	sst s10  }
0x32: {  	s10 =	sld [smem:$0x3FB3];
	_ =	sdelay $0x3  }
0x33: {  	p0 =	seq.s32 s10, $0x1;
	s10 =	sld [smem:$0x3FB5];
	_ =	sdelay $0x3  }
0x34: {  	[smem:$0x3FB5] =	sst s10  }
0x35: {  	s10 =	sld [smem:$0x3FB4];
	_ =	sdelay $0x3  }
0x36: {  	p1 =	seq.s32 s10, $0x1;
	s10 =	sld [smem:$0x3FB5];
	_ =	sdelay $0x3  }
0x37: {  	[smem:$0x3FB5] =	sst s10  }
0x38: {  	s10 =	sld [smem:$0x3FB6]  }
0x39: {  	_ = 	snop;
	(pc) =	sbr.ind lr, $3  }
0x3a: {  	_ = 	snop  }
0x3b: {  	_ = 	snop  }
0x3c: {  	p2 =	seq.s32 s10, $0x1;
	s10 =	sld [smem:$0x3FB5]  }
0x3d: {  	_ =	shalt  }
0x3e: {  	_ =	shalt  }
0x3f: {  	_ =	shalt  }
0x40: {  	_ =	shalt  }
0x41: {  	_ =	shalt  }
0x42: {  	_ =	shalt  }
0x43: {  	_ =	shalt  }
0x44: {  	_ =	shalt  }
0x45: {  	_ =	shalt  }
0x46: {  	_ =	shalt  }
0x47: {  	_ =	shalt  }
0x48: {  	_ =	shalt  }
0x49: {  	_ =	shalt  }
0x4a: {  	_ =	shalt  }
0x4b: {  	_ =	shalt  }
0x4c: {  	_ =	shalt  }
0x4d: {  	_ =	shalt  }
0x4e: {  	_ =	shalt  }
0x4f: {  	_ =	shalt  }
0x50: {  	_ =	shalt  }
0x51: {  	_ =	shalt  }
0x52: {  	_ =	shalt  }
0x53: {  	_ =	shalt  }
0x54: {  	_ =	shalt  }
0x55: {  	_ =	shalt  }
0x56: {  	_ =	shalt  }
0x57: {  	_ =	shalt  }
0x58: {  	_ =	shalt  }
0x59: {  	_ =	shalt  }
0x5a: {  	_ =	shalt  }
0x5b: {  	_ =	shalt  }
0x5c: {  	_ =	shalt  }
0x5d: {  	_ =	shalt  }
0x5e: {  	_ =	shalt  }
0x5f: {  	_ =	shalt  }
0x60: {  	_ =	shalt  }
0x61: {  	_ =	shalt  }
0x62: {  	_ =	shalt  }
0x63: {  	_ =	shalt  }
0x64: {  	_ =	shalt  }
0x65: {  	_ =	shalt  }
0x66: {  	_ =	shalt  }
0x67: {  	_ =	shalt  }
0x68: {  	_ =	shalt  }
0x69: {  	_ =	shalt  }
0x6a: {  	_ =	shalt  }
0x6b: {  	_ =	shalt  }
0x6c: {  	_ =	shalt  }
0x6d: {  	_ =	shalt  }
0x6e: {  	_ =	shalt  }
0x6f: {  	_ =	shalt  }
0x70: {  	_ =	shalt  }
0x71: {  	_ =	shalt  }
0x72: {  	_ =	shalt  }
0x73: {  	_ =	shalt  }
0x74: {  	_ =	shalt  }
0x75: {  	_ =	shalt  }
0x76: {  	_ =	shalt  }
0x77: {  	_ =	shalt  }
0x78: {  	_ =	shalt  }
0x79: {  	_ =	shalt  }
0x7a: {  	_ =	shalt  }
0x7b: {  	_ =	shalt  }
0x7c: {  	_ =	shalt  }
0x7d: {  	_ =	shalt  }
0x7e: {  	_ =	shalt  }
0x7f: {  	_ =	shalt  }
0x80: {  	_ =	shalt  }
0x81: {  	_ =	shalt  }
0x82: {  	_ =	shalt  }
0x83: {  	_ =	shalt  }
0x84: {  	_ =	shalt  }
0x85: {  	_ =	shalt  }
0x86: {  	_ =	shalt  }
0x87: {  	_ =	shalt  }
.Lfunc_end0:
.L_simem_size_0:
called_computation_lowered:
.L_overlay_start_0:
0x88: {  	s2 =	sld [smem:$0x3FD9]  }
0x89: {  	s3 =	sld [smem:$0x3FFE];
	_ =	sdelay $0x1  }
0x8a: {  	s1 =	srdreg.scid  }
0x8b: {  	s0 =	sand.u32 $0x1, s1  }
0x8c: {  	s16 =	sshll.u32 s0, $0xA;
	s2 =	sadd.s32 s3, s2  }
0x8d: {  	s2 =	sadd.s32 s2, s16  }
0x8e: {  	[smem:$0x3FC1] =	sst s2  }
0x8f: {  	_ = 	snop  }
0x90: {  	(tm) =	ssettm $0x1  }
0x91: {  	s17 =	sld [smem:$0x3FFB];
	_ =	sdelay $0x3  }
0x92: {  	_ =	strace s17  }
0x93: {  	s2 =	sld [smem:$0x3FFC];
	_ =	sdelay $0x3  }
0x94: {  	_ =	strace s2  }
0x95: {  	s2 =	sld [smem:$0x3FFD];
	_ =	sdelay $0x3  }
0x96: {  	_ =	strace s2  }
0x97: {  	_ =	strace $0x8FFFFFFF  }
0x98: {  	s18 =	sld [smem:$0x3FDB];
	_ =	sdelay $0x1  }
0x99: {  	s19 =	simm.s32 $_scs_section_size  }
0x9a: {  	s4 =	simm.s32 $_size__tile_overlayer_lowered;
	s5 =	simm.s32 $_tile_overlayer_lowered  }
0x9b: {  	s22 =	simm.s32 $0x1BFF;
	s21 =	sshll.u32 s5, $0x1;
	s2 =	sadd.s32 s19, s18  }
0x9c: {  	s6 =	simm.s32 $0x0;
	s20 =	sshll.u32 s4, $0x1;
	s4 =	sadd.s32 s21, s2  }
0x9d: {  	[timem:s6], [sflag:s22] =	dma.local [hbm:s4], s20  }
0x9e: {  	_ =	swait.ge [sflag:s22], s20  }
0x9f: {  	s3 =	ssub.s32 $0x0, s20;
	[sflag:s22] =	ssyncset.done $0x0  }
0xa0: {  	[sflag:s22] =	ssyncadd.s32 s3;
	_ =	sdelay $0x1  }
0xa1: {  	s23 =	simm.s32 $0x1B8B  }
0xa2: {  	_ =	swait.ge [sflag:s23], $0x1  }
0xa3: {  	[sflag:s23] =	ssyncset.done $0x0  }
0xa4: {  	s25 =	simm.s32 $0x1B8E;
	s24 =	sld [smem:$0x3FFE];
	[sflag:s23] =	ssyncadd.s32 $0xFFFFFFFF  }
0xa5: {  	s26 =	simm.s32 $execute0_lowered;
	[smem:$0x3FD2] =	sst s25  }
0xa6: {  	s4 =	sshll.u32 s26, $0x1;
	_ =	strace $0x80000046;
	[dreg:$0x1] =	wrdreg $0xFFFFFFFF  }
0xa7: {  	s28 =	simm.s32 $_size_execute0_lowered;
	s2 =	sadd.s32 s2, s4;
	[dreg:$0x0] =	wrdreg $0x0  }
0xa8: {  	s4 =	sshll.u32 s28, $0x1;
	[dreg:$0x2] =	wrdreg s2  }
0xa9: {  	[dreg:$0x3] =	wrdreg s4  }
0xaa: {  	[dreg:$0x4] =	wrdreg $0xC0  }
0xab: {  	_ =	task [dreg:s6], $0x5FFFF  }
0xac: {  	[dreg:$0x1] =	wrdreg $0xFFFFFFFF  }
0xad: {  	[dreg:$0x0] =	wrdreg $0x60  }
0xae: {  	[dreg:$0x2] =	wrdreg s24  }
0xaf: {  	[dreg:$0x3] =	wrdreg $0x9  }
0xb0: {  	_ =	task.clear_ibuf [dreg:s6], $0x4FFFF;
	_ =	strace $0x90000046  }
0xb1: {  	s29 =	simm.s32 $0x9;
	_ =	strace $0x80000048  }
0xb2: {  	_ =	swait.ge [sflag:s29], $0x1  }
0xb3: {  	[sflag:s29] =	ssyncadd.s32 $0xFFFFFFFF  }
0xb4: {  	_ =	strace $0x90000048  }
0xb5: {  	_ =	sfence  }
0xb6: {  	s30 =	sld [smem:$0x0];
	_ =	sdelay $0x2  }
0xb7: {  	s31 =	sshll.u32 s1, $0xD;
	s1 =	sshrl.u32 s1, $0x2  }
0xb8: {  	s3 =	sand.u32 $0x4000, s31;
	s1 =	sadd.s32 s1, s30  }
0xb9: {  	s0 =	sor.u32 s3, s0;
	s1 =	sshll.u32 s1, $0x11  }
0xba: {  	s0 =	sor.u32 s1, s0  }
0xbb: {  	s0 =	sadd.s32 $0x8F2B, s0  }
0xbc: {  	[sflag:s0] =	ssyncadd.remote.s32 $0x1  }
0xbd: {  	_ =	sfence.sel $0xFFFF  }
0xbe: {  	[dreg:$0x0] =	wrdreg $0xFFFFFFFF;
	(pc) =	sbr.abs _section_cstart, $3  }
0xbf: {  	[dreg:$0x1] =	wrdreg $0xFFFFFFFF  }
0xc0: {  	_ =	task.clear_ibuf [dreg:s6], $0x2FFFF;
	_ =	strace $0x9FFFFFFF  }
0xc1: {  	(tm) =	ssettm $0x7FFFFFFF  }
tec
execute0_lowered:
.L_overlay_start_1:
0x0: {  	(tag) =	ssettag $0x1  }
0x1: {  	s1 =	srdreg.scid;
	s0 =	stileid.u32  }
0x2: {  	s24 =	sand.u32 $0x1, s1;
	s29 =	sshll.u32 s0, $0x1  }
0x3: {  	s14 =	rddreg [dreg:$0x0];
	s13 =	sor.u32 s24, s29  }
0x4: {  	s2 =	simm.s32 $0x0;
	s1 =	rddreg [dreg:$0x1];
	s3 =	sshll.u32 s13, $0x6  }
0x5: {  	[smem:$0x7FF] =	sst s2;
	s5 =	sadd.s32 s3, s14  }
0x6: {  	_ =	strace $0x80000047;
	s3 =	simm.s32 $0x2;
	s4 =	sadd.s32 $0x1600, s5  }
0x7: {  	[tilespmem:s2], [sflag:$0x2] =	stream.linear.gather [hbm4b:s4+s2], $0x200, $0x38;
	[tilespmem:$0x8400] =	vst v63  }
0x8: {  	_ =	swait.ge [sflag:s3], $0x200  }
0x9: {  	[sflag:s3] =	ssyncset.done $0x0  }
0xa: {  	s6 =	simm.s32 $0x200;
	s5 =	sadd.s32 $0x2600, s5;
	[sflag:s3] =	ssyncadd.s32 $0xFFFFFE00  }
0xb: {  	[tilespmem:s6], [sflag:$0x2] =	stream.linear.gather [hbm4b:s5+s2], $0x200, $0x38;
	[tilespmem:$0x8400] =	vst v63  }
0xc: {  	_ =	swait.ge [sflag:s3], $0x200  }
0xd: {  	s8 =	simm.s32 $0x80;
	[sflag:s3] =	ssyncset.done $0x0  }
0xe: {  	s9 =	simm.s32 $0x400;
	s7 =	sadd.s32 $0x2E00, s14;
	[sflag:s3] =	ssyncadd.s32 $0xFFFFFE00  }
0xf: {  	[tilespmem:s9], [sflag:$0x1] =	stream.indirect.gather [hbm4b:s7+s8], $0x80, s2, s8, $0xb8;
	[tilespmem:$0x8400] =	vst v63  }
0x10: {  	s11 =	simm.s32 $0x4400;
	s12 =	simm.s32 $0x1;
	s10 =	sadd.s32 $0x3DAE00, s14  }
0x11: {  	[tilespmem:s11], [sflag:$0x1] =	stream.indirect.gather [hbm4b:s10+s8], $0x80, s6, s8, $0xb8;
	[tilespmem:$0x8400] =	vst v63  }
0x12: {  	_ =	swait.ge [sflag:s12], $0x4000  }
0x13: {  	[sflag:s12] =	ssyncset.done $0x0  }
0x14: {  	[sflag:s12] =	ssyncadd.s32 $0xFFFFC000  }
0x15: {  	_ =	swait.ge [sflag:s12], $0x4000  }
0x16: {  	s25 =	sadd.s32 $0x7B2E00, s14;
	s28 =	sshll.u32 s13, $0xD;
	[sflag:s12] =	ssyncset.done $0x0  }
0x17: {  	s13 =	sadd.s32 s25, s28;
	[sflag:s12] =	ssyncadd.s32 $0xFFFFC000  }
0x18: {  	[hbm4b:s13+s2] =	stream.linear.scatter [tilespmem:s9], [sflag:$0x2], $0x4000, $0x38;
	[tilespmem:$0x8400] =	vst v63  }
0x19: {  	_ =	swait.ge [sflag:s3], $0x4000  }
0x1a: {  	s26 =	sadd.s32 $0x7F2E00, s14;
	[sflag:s3] =	ssyncset.done $0x0  }
0x1b: {  	s14 =	sadd.s32 s26, s28;
	[sflag:s3] =	ssyncadd.s32 $0xFFFFC000  }
0x1c: {  	[hbm4b:s14+s2] =	stream.linear.scatter [tilespmem:s11], [sflag:$0x2], $0x4000, $0x38;
	[tilespmem:$0x8400] =	vst v63  }
0x1d: {  	_ =	swait.ge [sflag:s3], $0x4000  }
0x1e: {  	[sflag:s3] =	ssyncset.done $0x0  }
0x1f: {  	[sflag:s3] =	ssyncadd.s32 $0xFFFFC000  }
0x20: {  	[tilespmem:s9], [sflag:$0x1] =	stream.indirect.gather [hbm4b:s7+s8], $0x80, s8, s8, $0xb8;
	[tilespmem:$0x8400] =	vst v63  }
0x21: {  	s15 =	simm.s32 $0x280  }
0x22: {  	[tilespmem:s11], [sflag:$0x1] =	stream.indirect.gather [hbm4b:s10+s8], $0x80, s15, s8, $0xb8;
	[tilespmem:$0x8400] =	vst v63  }
0x23: {  	_ =	swait.ge [sflag:s12], $0x4000  }
0x24: {  	[sflag:s12] =	ssyncset.done $0x0  }
0x25: {  	[sflag:s12] =	ssyncadd.s32 $0xFFFFC000  }
0x26: {  	_ =	swait.ge [sflag:s12], $0x4000  }
0x27: {  	s17 =	sor.u32 $0x800, s28;
	[sflag:s12] =	ssyncset.done $0x0  }
0x28: {  	s16 =	sadd.s32 s25, s17;
	[sflag:s12] =	ssyncadd.s32 $0xFFFFC000  }
0x29: {  	[hbm4b:s16+s2] =	stream.linear.scatter [tilespmem:s9], [sflag:$0x2], $0x4000, $0x38;
	[tilespmem:$0x8400] =	vst v63  }
0x2a: {  	_ =	swait.ge [sflag:s3], $0x4000  }
0x2b: {  	[sflag:s3] =	ssyncset.done $0x0  }
0x2c: {  	s17 =	sadd.s32 s26, s17;
	[sflag:s3] =	ssyncadd.s32 $0xFFFFC000  }
0x2d: {  	[hbm4b:s17+s2] =	stream.linear.scatter [tilespmem:s11], [sflag:$0x2], $0x4000, $0x38;
	[tilespmem:$0x8400] =	vst v63  }
0x2e: {  	_ =	swait.ge [sflag:s3], $0x4000  }
0x2f: {  	[sflag:s3] =	ssyncset.done $0x0  }
0x30: {  	s18 =	simm.s32 $0x100;
	[sflag:s3] =	ssyncadd.s32 $0xFFFFC000  }
0x31: {  	[tilespmem:s9], [sflag:$0x1] =	stream.indirect.gather [hbm4b:s7+s8], $0x80, s18, s8, $0xb8;
	[tilespmem:$0x8400] =	vst v63  }
0x32: {  	s19 =	simm.s32 $0x300  }
0x33: {  	[tilespmem:s11], [sflag:$0x1] =	stream.indirect.gather [hbm4b:s10+s8], $0x80, s19, s8, $0xb8;
	[tilespmem:$0x8400] =	vst v63  }
0x34: {  	_ =	swait.ge [sflag:s12], $0x4000  }
0x35: {  	[sflag:s12] =	ssyncset.done $0x0  }
0x36: {  	[sflag:s12] =	ssyncadd.s32 $0xFFFFC000  }
0x37: {  	_ =	swait.ge [sflag:s12], $0x4000  }
0x38: {  	s21 =	sor.u32 $0x1000, s28;
	[sflag:s12] =	ssyncset.done $0x0  }
0x39: {  	s20 =	sadd.s32 s25, s21;
	[sflag:s12] =	ssyncadd.s32 $0xFFFFC000  }
0x3a: {  	[hbm4b:s20+s2] =	stream.linear.scatter [tilespmem:s9], [sflag:$0x2], $0x4000, $0x38;
	[tilespmem:$0x8400] =	vst v63  }
0x3b: {  	_ =	swait.ge [sflag:s3], $0x4000  }
0x3c: {  	[sflag:s3] =	ssyncset.done $0x0  }
0x3d: {  	s21 =	sadd.s32 s26, s21;
	[sflag:s3] =	ssyncadd.s32 $0xFFFFC000  }
0x3e: {  	[hbm4b:s21+s2] =	stream.linear.scatter [tilespmem:s11], [sflag:$0x2], $0x4000, $0x38;
	[tilespmem:$0x8400] =	vst v63  }
0x3f: {  	_ =	swait.ge [sflag:s3], $0x4000  }
0x40: {  	[sflag:s3] =	ssyncset.done $0x0  }
0x41: {  	s22 =	simm.s32 $0x180;
	[sflag:s3] =	ssyncadd.s32 $0xFFFFC000  }
0x42: {  	[tilespmem:s9], [sflag:$0x1] =	stream.indirect.gather [hbm4b:s7+s8], $0x80, s22, s8, $0xb8;
	[tilespmem:$0x8400] =	vst v63  }
0x43: {  	s23 =	simm.s32 $0x380  }
0x44: {  	[tilespmem:s11], [sflag:$0x1] =	stream.indirect.gather [hbm4b:s10+s8], $0x80, s23, s8, $0xb8;
	[tilespmem:$0x8400] =	vst v63  }
0x45: {  	_ =	swait.ge [sflag:s12], $0x4000  }
0x46: {  	[sflag:s12] =	ssyncset.done $0x0  }
0x47: {  	s29 =	ssub.s32 $0x2, s24;
	[sflag:s12] =	ssyncadd.s32 $0xFFFFC000  }
0x48: {  	s30 =	sshrl.u32 s29, $0x1;
	_ =	swait.ge [sflag:s12], $0x4000  }
0x49: {  	s28 =	sor.u32 $0x1800, s28;
	s29 =	ssub.s32 s29, s30;
	[sflag:s12] =	ssyncset.done $0x0  }
0x4a: {  	s24 =	sadd.s32 s25, s28;
	s31 =	smax.u32 s29, $0x1;
	[sflag:s12] =	ssyncadd.s32 $0xFFFFC000  }
0x4b: {  	[hbm4b:s24+s2] =	stream.linear.scatter [tilespmem:s9], [sflag:$0x2], $0x4000, $0x38;
	[tilespmem:$0x8400] =	vst v63  }
0x4c: {  	p0 =	sne.s32 s31, $0x1;
	_ =	swait.ge [sflag:s3], $0x4000  }
.Ltmp0:
0x4d: {  	[sflag:s3] =	ssyncset.done $0x0;
	(pc) =	sbr.rel @!p0 .LBB2_2-.Ltmp0, $4  }
0x4e: {  	s25 =	sadd.s32 s26, s28;
	[sflag:s3] =	ssyncadd.s32 $0xFFFFC000  }
0x4f: {  	[hbm4b:s25+s2] =	stream.linear.scatter [tilespmem:s11], [sflag:$0x2], $0x4000, $0x38;
	[tilespmem:$0x8400] =	vst v63  }
0x50: {  	_ =	swait.ge [sflag:s3], $0x4000  }
0x51: {  	s26 =	sadd.s32 $0xFFFFFFFF, s31;
	[sflag:s3] =	ssyncset.done $0x0  }
.LBB2_1:
0x52: {  	p0 =	sne.s32 s26, $0x1;
	s26 =	sadd.s32 $0xFFFFFFFF, s26;
	[sflag:s3] =	ssyncadd.s32 $0xFFFFC000  }
0x53: {  	[tilespmem:s2], [sflag:$0x2] =	stream.linear.gather [hbm4b:s4+s2], $0x200, $0x38;
	[tilespmem:$0x8400] =	vst v63  }
0x54: {  	_ =	swait.ge [sflag:s3], $0x200  }
0x55: {  	[sflag:s3] =	ssyncset.done $0x0  }
0x56: {  	[sflag:s3] =	ssyncadd.s32 $0xFFFFFE00  }
0x57: {  	[tilespmem:s6], [sflag:$0x2] =	stream.linear.gather [hbm4b:s5+s2], $0x200, $0x38;
	[tilespmem:$0x8400] =	vst v63  }
0x58: {  	_ =	swait.ge [sflag:s3], $0x200  }
0x59: {  	[sflag:s3] =	ssyncset.done $0x0  }
0x5a: {  	[sflag:s3] =	ssyncadd.s32 $0xFFFFFE00  }
0x5b: {  	[tilespmem:s9], [sflag:$0x1] =	stream.indirect.gather [hbm4b:s7+s8], $0x80, s2, s8, $0xb8;
	[tilespmem:$0x8400] =	vst v63  }
0x5c: {  	_ = 	snop  }
0x5d: {  	[tilespmem:s11], [sflag:$0x1] =	stream.indirect.gather [hbm4b:s10+s8], $0x80, s6, s8, $0xb8;
	[tilespmem:$0x8400] =	vst v63  }
0x5e: {  	_ =	swait.ge [sflag:s12], $0x4000  }
0x5f: {  	[sflag:s12] =	ssyncset.done $0x0  }
0x60: {  	[sflag:s12] =	ssyncadd.s32 $0xFFFFC000  }
0x61: {  	_ =	swait.ge [sflag:s12], $0x4000  }
0x62: {  	[sflag:s12] =	ssyncset.done $0x0  }
0x63: {  	[sflag:s12] =	ssyncadd.s32 $0xFFFFC000  }
0x64: {  	[hbm4b:s13+s2] =	stream.linear.scatter [tilespmem:s9], [sflag:$0x2], $0x4000, $0x38;
	[tilespmem:$0x8400] =	vst v63  }
0x65: {  	_ =	swait.ge [sflag:s3], $0x4000  }
0x66: {  	[sflag:s3] =	ssyncset.done $0x0  }
0x67: {  	[sflag:s3] =	ssyncadd.s32 $0xFFFFC000  }
0x68: {  	[hbm4b:s14+s2] =	stream.linear.scatter [tilespmem:s11], [sflag:$0x2], $0x4000, $0x38;
	[tilespmem:$0x8400] =	vst v63  }
0x69: {  	_ =	swait.ge [sflag:s3], $0x4000  }
0x6a: {  	[sflag:s3] =	ssyncset.done $0x0  }
0x6b: {  	[sflag:s3] =	ssyncadd.s32 $0xFFFFC000  }
0x6c: {  	[tilespmem:s9], [sflag:$0x1] =	stream.indirect.gather [hbm4b:s7+s8], $0x80, s8, s8, $0xb8;
	[tilespmem:$0x8400] =	vst v63  }
0x6d: {  	_ = 	snop  }
0x6e: {  	[tilespmem:s11], [sflag:$0x1] =	stream.indirect.gather [hbm4b:s10+s8], $0x80, s15, s8, $0xb8;
	[tilespmem:$0x8400] =	vst v63  }
0x6f: {  	_ =	swait.ge [sflag:s12], $0x4000  }
0x70: {  	[sflag:s12] =	ssyncset.done $0x0  }
0x71: {  	[sflag:s12] =	ssyncadd.s32 $0xFFFFC000  }
0x72: {  	_ =	swait.ge [sflag:s12], $0x4000  }
0x73: {  	[sflag:s12] =	ssyncset.done $0x0  }
0x74: {  	[sflag:s12] =	ssyncadd.s32 $0xFFFFC000  }
0x75: {  	[hbm4b:s16+s2] =	stream.linear.scatter [tilespmem:s9], [sflag:$0x2], $0x4000, $0x38;
	[tilespmem:$0x8400] =	vst v63  }
0x76: {  	_ =	swait.ge [sflag:s3], $0x4000  }
0x77: {  	[sflag:s3] =	ssyncset.done $0x0  }
0x78: {  	[sflag:s3] =	ssyncadd.s32 $0xFFFFC000  }
0x79: {  	[hbm4b:s17+s2] =	stream.linear.scatter [tilespmem:s11], [sflag:$0x2], $0x4000, $0x38;
	[tilespmem:$0x8400] =	vst v63  }
0x7a: {  	_ =	swait.ge [sflag:s3], $0x4000  }
0x7b: {  	[sflag:s3] =	ssyncset.done $0x0  }
0x7c: {  	[sflag:s3] =	ssyncadd.s32 $0xFFFFC000  }
0x7d: {  	[tilespmem:s9], [sflag:$0x1] =	stream.indirect.gather [hbm4b:s7+s8], $0x80, s18, s8, $0xb8;
	[tilespmem:$0x8400] =	vst v63  }
0x7e: {  	_ = 	snop  }
0x7f: {  	[tilespmem:s11], [sflag:$0x1] =	stream.indirect.gather [hbm4b:s10+s8], $0x80, s19, s8, $0xb8;
	[tilespmem:$0x8400] =	vst v63  }
0x80: {  	_ =	swait.ge [sflag:s12], $0x4000  }
0x81: {  	[sflag:s12] =	ssyncset.done $0x0  }
0x82: {  	[sflag:s12] =	ssyncadd.s32 $0xFFFFC000  }
0x83: {  	_ =	swait.ge [sflag:s12], $0x4000  }
0x84: {  	[sflag:s12] =	ssyncset.done $0x0  }
0x85: {  	[sflag:s12] =	ssyncadd.s32 $0xFFFFC000  }
0x86: {  	[hbm4b:s20+s2] =	stream.linear.scatter [tilespmem:s9], [sflag:$0x2], $0x4000, $0x38;
	[tilespmem:$0x8400] =	vst v63  }
0x87: {  	_ =	swait.ge [sflag:s3], $0x4000  }
0x88: {  	[sflag:s3] =	ssyncset.done $0x0  }
0x89: {  	[sflag:s3] =	ssyncadd.s32 $0xFFFFC000  }
0x8a: {  	[hbm4b:s21+s2] =	stream.linear.scatter [tilespmem:s11], [sflag:$0x2], $0x4000, $0x38;
	[tilespmem:$0x8400] =	vst v63  }
0x8b: {  	_ =	swait.ge [sflag:s3], $0x4000  }
0x8c: {  	[sflag:s3] =	ssyncset.done $0x0  }
0x8d: {  	[sflag:s3] =	ssyncadd.s32 $0xFFFFC000  }
0x8e: {  	[tilespmem:s9], [sflag:$0x1] =	stream.indirect.gather [hbm4b:s7+s8], $0x80, s22, s8, $0xb8;
	[tilespmem:$0x8400] =	vst v63  }
0x8f: {  	_ = 	snop  }
0x90: {  	[tilespmem:s11], [sflag:$0x1] =	stream.indirect.gather [hbm4b:s10+s8], $0x80, s23, s8, $0xb8;
	[tilespmem:$0x8400] =	vst v63  }
0x91: {  	_ =	swait.ge [sflag:s12], $0x4000  }
0x92: {  	[sflag:s12] =	ssyncset.done $0x0  }
0x93: {  	[sflag:s12] =	ssyncadd.s32 $0xFFFFC000  }
0x94: {  	_ =	swait.ge [sflag:s12], $0x4000  }
0x95: {  	[sflag:s12] =	ssyncset.done $0x0  }
0x96: {  	[sflag:s12] =	ssyncadd.s32 $0xFFFFC000  }
0x97: {  	[hbm4b:s24+s2] =	stream.linear.scatter [tilespmem:s9], [sflag:$0x2], $0x4000, $0x38;
	[tilespmem:$0x8400] =	vst v63  }
0x98: {  	_ =	swait.ge [sflag:s3], $0x4000  }
.Ltmp1:
0x99: {  	[sflag:s3] =	ssyncset.done $0x0;
	(pc) =	sbr.rel @p0 .LBB2_1-.Ltmp1, $4  }
0x9a: {  	[sflag:s3] =	ssyncadd.s32 $0xFFFFC000  }
0x9b: {  	[hbm4b:s25+s2] =	stream.linear.scatter [tilespmem:s11], [sflag:$0x2], $0x4000, $0x38;
	[tilespmem:$0x8400] =	vst v63  }
0x9c: {  	_ =	swait.ge [sflag:s3], $0x4000  }
0x9d: {  	[sflag:s3] =	ssyncset.done $0x0  }
.LBB2_2:
0x9e: {  	[sflag:s3] =	ssyncadd.s32 $0xFFFFC000  }
0x9f: {  	_ =	sfence.sel $0x180000  }
0xa0: {  	[bflag:$0x0] =	sbarrier.arrive $0xFFFF  }
0xa1: {  	p0 =	sne.s32 s0, $0x0;
	_ =	strace $0x90000047  }
0xa2: {  	s0 =	sadd.s32 @!p0 $0x100000, s1;
	[bflag:$0x2] =	sbarrier.arrive $0xFFFF  }
0xa3: {  	[sflag:s0] =	ssyncadd.tile.s32 @!p0 $0x1;
	_ =	shalt  }
.Lfunc_end2:
_tile_overlayer_lowered:
.L_overlay_start_2:
0xa4: {  	(tag) =	ssettag $0x2  }
0xa5: {  	s0 =	rddreg [dreg:$0x0];
	s2 =	stileid.u32  }
0xa6: {  	s1 =	rddreg [dreg:$0x1];
	p0 =	sne.s32 s2, $0x0  }
0xa7: {  	s3 =	rddreg [dreg:$0x2];
	[bflag:$0x3] =	sbarrier.arrive $0xFFFF;
	s2 =	simm.s32 @!p0 $0x1C02  }
0xa8: {  	[timem:s3], [sflag:s2] =	dma.local @!p0 [hbm:s0], s1  }
0xa9: {  	s0 =	simm.s32 @!p0 $0x2  }
0xaa: {  	_ =	swait.ge @!p0 [sflag:s0], s1  }
0xab: {  	s1 =	ssub.s32 @!p0 $0x0, s1;
	[sflag:s0] =	ssyncset.done @!p0 $0x0  }
0xac: {  	[sflag:s0] =	ssyncadd.s32 @!p0 s1  }
0xad: {  	[bflag:$0x3] =	sbarrier.arrive $0xFFFF  }
0xae: {  	_ =	shalt  }

</sc_bundles>
